<compile_context>
chip_gen: v7x
topology: tpu7x:2x2x1
jax: 0.10.2.dev20260603
libtpu: 0.0.44.dev20260713+nightly
codegen_flags: <defaults>
</compile_context>

<pallas_src>
import functools

import jax
import jax.numpy as jnp
from jax import lax
from jax.experimental import pallas as pl
from jax.experimental.pallas import tpu as pltpu
from jax.experimental.pallas import tpu_sc as plsc

N = 10000
E = 160000
D = 256
DH = D // 2
NC, NS, L = 2, 16, 16
KA = 128
NCHA = 80
BLK = 1000
EPS = 1e-5

_sc_mesh = plsc.VectorSubcoreMesh(
    core_axis_name="c", subcore_axis_name="s", num_cores=NC, num_subcores=NS)


def _degree_body(eidx, deg_hbm, idx_v, ones_v, zb_v, acc_sh, sem):
    c = lax.axis_index("c")
    s = lax.axis_index("s")
    pltpu.sync_copy(eidx.at[c, s], idx_v)

    @pl.loop(0, KA // L)
    def _(i):
        ones_v[pl.ds(i * L, L)] = jnp.ones((L,), jnp.float32)

    @pl.when(s == 0)
    def _():
        @pl.loop(0, N // L)
        def _(i):
            zb_v[pl.ds(i * L, L)] = jnp.zeros((L,), jnp.float32)
        pltpu.sync_copy(zb_v, acc_sh.at[pl.ds(0, N)])
        pltpu.sync_copy(zb_v.at[pl.ds(0, 16)], acc_sh.at[pl.ds(N, 16)])

    plsc.subcore_barrier()

    @pl.loop(0, NCHA)
    def _(j):
        pltpu.async_copy(ones_v, acc_sh.at[idx_v.at[j]], sem, add=True)

    @pl.loop(0, NCHA)
    def _(j):
        pltpu.make_async_copy(ones_v, acc_sh.at[idx_v.at[0]], sem).wait()

    plsc.subcore_barrier()

    @pl.when(s == 0)
    def _():
        pltpu.sync_copy(acc_sh.at[pl.ds(0, N)], zb_v)
        pltpu.sync_copy(zb_v, deg_hbm.at[pl.ds(c * N, N)])


_degree_kernel = functools.partial(
    pl.kernel,
    out_type=jax.ShapeDtypeStruct((NC * N,), jnp.float32),
    mesh=_sc_mesh,
    scratch_types=[
        pltpu.VMEM((NCHA, KA), jnp.int32),
        pltpu.VMEM((KA,), jnp.float32),
        pltpu.VMEM((N,), jnp.float32),
        pltpu.VMEM_SHARED((N + 16,), jnp.float32),
        pltpu.SemaphoreType.DMA,
    ],
)(_degree_body)


def _matmul_body(x_ref, w_ref, deg_ref, out_ref):
    nsrc = lax.rsqrt(jnp.maximum(deg_ref[...], 1.0))
    h = jnp.dot(x_ref[...], w_ref[...],
                preferred_element_type=jnp.float32)
    h = h * nsrc
    out_ref[...] = h.reshape(BLK, 2, DH)


def _matmul_call(x, w, deg_out_col):
    return pl.pallas_call(
        _matmul_body,
        grid=(N // BLK,),
        in_specs=[
            pl.BlockSpec((BLK, D), lambda i: (i, 0)),
            pl.BlockSpec((D, D), lambda i: (0, 0)),
            pl.BlockSpec((BLK, 1), lambda i: (i, 0)),
        ],
        out_specs=pl.BlockSpec((BLK, 2, DH), lambda i: (i, 0, 0)),
        out_shape=jax.ShapeDtypeStruct((N, 2, DH), jnp.float32),
    )(x, w, deg_out_col)


CK = 80
SCH = 16
EP = 10240
NCH = EP // CK
NPH = NCH // SCH
TRASH = N
WCH = 16
ACC_R = N + WCH
NZCH = ACC_R // WCH
NWCH = N // WCH


def _agg_body(srcmod, dst4, h2, out_hbm, sidx_v, didx_v, rows0, rows1,
              rows2, rows3, zb_v, acc_sh, sem0, sem1, sem2, sem3):
    c = lax.axis_index("c")
    s = lax.axis_index("s")

    @pl.loop(0, WCH)
    def _(i):
        for k in range(DH // L):
            zb_v[i, pl.ds(k * L, L)] = jnp.zeros((L,), jnp.float32)

    @pl.loop(s, NZCH, step=NS)
    def _(z):
        pltpu.sync_copy(zb_v, acc_sh.at[pl.ds(z * WCH, WCH)])

    plsc.subcore_barrier()

    @pl.loop(0, NPH)
    def _(ph):
        o = pl.multiple_of(ph * SCH, 8)
        pltpu.sync_copy(srcmod.at[c, s, pl.ds(o, SCH)], sidx_v)
        pltpu.sync_copy(dst4.at[s, pl.ds(o, SCH)], didx_v)

        for b, (rb, sb) in enumerate(
                ((rows0, sem0), (rows1, sem1), (rows2, sem2), (rows3, sem3))):
            pltpu.async_copy(h2.at[sidx_v.at[b]], rb, sb)

        @pl.loop(0, SCH // 4)
        def _(g):
            j0 = 4 * g
            for b, (rb, sb) in enumerate(
                    ((rows0, sem0), (rows1, sem1),
                     (rows2, sem2), (rows3, sem3))):
                j = j0 + b
                pltpu.make_async_copy(h2.at[sidx_v.at[j]], rb, sb).wait()
                pltpu.sync_copy(rb, acc_sh.at[didx_v.at[j]], add=True)

                @pl.when(j + 4 < SCH)
                def _():
                    pltpu.async_copy(h2.at[sidx_v.at[j + 4]], rb, sb)

    plsc.subcore_barrier()

    @pl.loop(s, NWCH, step=NS)
    def _(z):
        pltpu.sync_copy(acc_sh.at[pl.ds(z * WCH, WCH)], zb_v)
        pltpu.sync_copy(zb_v, out_hbm.at[c, pl.ds(z * WCH, WCH)])


_agg_kernel = functools.partial(
    pl.kernel,
    out_type=jax.ShapeDtypeStruct((NC, N, DH), jnp.float32),
    mesh=_sc_mesh,
    scratch_types=[
        pltpu.VMEM((SCH, CK), jnp.int32),
        pltpu.VMEM((SCH, CK), jnp.int32),
        pltpu.VMEM((CK, DH), jnp.float32),
        pltpu.VMEM((CK, DH), jnp.float32),
        pltpu.VMEM((CK, DH), jnp.float32),
        pltpu.VMEM((CK, DH), jnp.float32),
        pltpu.VMEM((WCH, DH), jnp.float32),
        pltpu.VMEM_SHARED((ACC_R, DH), jnp.float32),
        pltpu.SemaphoreType.DMA,
        pltpu.SemaphoreType.DMA,
        pltpu.SemaphoreType.DMA,
        pltpu.SemaphoreType.DMA,
    ],
)(_agg_body)


def _epilogue_body(agg_ref, deg_ref, b_ref, g_ref, be_ref, out_ref):
    ndst = lax.rsqrt(jnp.maximum(deg_ref[...], 1.0))
    inv = jnp.float32(1.0) / jnp.sqrt(jnp.float32(1.0 + EPS))
    for q in range(2):
        cols = slice(q * DH, (q + 1) * DH)
        y = agg_ref[q] * ndst + b_ref[:, cols]
        y = y * (g_ref[:, cols] * inv) + be_ref[:, cols]
        out_ref[:, cols] = jnp.maximum(y, 0.0)


def _epilogue_call(agg2, deg_in_col, b2, g2, be2):
    return pl.pallas_call(
        _epilogue_body,
        grid=(N // BLK,),
        in_specs=[
            pl.BlockSpec((2, BLK, DH), lambda i: (0, i, 0)),
            pl.BlockSpec((BLK, 1), lambda i: (i, 0)),
            pl.BlockSpec((1, D), lambda i: (0, 0)),
            pl.BlockSpec((1, D), lambda i: (0, 0)),
            pl.BlockSpec((1, D), lambda i: (0, 0)),
        ],
        out_specs=pl.BlockSpec((BLK, D), lambda i: (i, 0)),
        out_shape=jax.ShapeDtypeStruct((N, D), jnp.float32),
    )(agg2, deg_in_col, b2, g2, be2)


def kernel(node_features, edge_index, W, b, gamma, beta):
    src = edge_index[0]
    dst = edge_index[1]
    ept = E // NS
    srcp = jnp.pad(src.reshape(NS, ept), ((0, 0), (0, EP - ept)))
    dstp = jnp.pad(dst.reshape(NS, ept), ((0, 0), (0, EP - ept)),
                   constant_values=TRASH)
    srcpa = jnp.pad(src.reshape(NS, ept), ((0, 0), (0, EP - ept)),
                    constant_values=N)
    eidx_a = jnp.stack([srcpa, dstp]).reshape(NC, NS, NCHA, KA)
    srcmod = jnp.stack([2 * srcp, 2 * srcp + 1]).reshape(NC, NS, NCH, CK)
    dst4 = dstp.reshape(NS, NCH, CK)

    degs = _degree_kernel(eidx_a)
    deg_out_col = degs[:N].reshape(N, 1)
    deg_in_col = degs[N:].reshape(N, 1)

    h2 = _matmul_call(node_features, W, deg_out_col)

    agg2 = _agg_kernel(srcmod, dst4, h2.reshape(2 * N, DH))

    return _epilogue_call(agg2, deg_in_col, b.reshape(1, D),
                          gamma.reshape(1, D), beta.reshape(1, D))

# --- scband reference (transcript-rebuilt; emitter-appended) ---
"""Pipeline reference for scband-graph-conv-module-25220047962423 (READ-ONLY COPY).

The authoritative reference and input builder live on the scoring server;
editing this copy changes nothing except your own understanding.
"""

import jax, jax.numpy as jnp
import numpy as np

N = 10000
E = 160000
D = 256


def setup_inputs(seed: int = 0) -> dict:
    key = jax.random.key(seed)
    k1, k2, k3 = jax.random.split(key, 3)
    node_features = jax.random.normal(k1, (N, D), dtype=jnp.float32)
    edge_index = jax.random.randint(k2, (2, E), 0, N, dtype=jnp.int32)
    # GraphConv weight/bias (Glorot-ish init) and BatchNorm1d affine params
    W = jax.random.normal(k3, (D, D), dtype=jnp.float32) * (1.0 / np.sqrt(D))
    b = jnp.zeros((D,), dtype=jnp.float32)
    gamma = jnp.ones((D,), dtype=jnp.float32)
    beta = jnp.zeros((D,), dtype=jnp.float32)
    return {
        'node_features': node_features,
        'edge_index': edge_index,
        'W': W,
        'b': b,
        'gamma': gamma,
        'beta': beta,
    }


def reference(node_features, edge_index, W, b, gamma, beta):
    # dgl.nn.GraphConv with norm='both': out = D_in^{-1/2} A D_out^{-1/2} X W + b
    src = edge_index[0]
    dst = edge_index[1]
    deg_out = jnp.bincount(src, length=N).astype(jnp.float32)
    deg_in = jnp.bincount(dst, length=N).astype(jnp.float32)
    norm_src = jax.lax.rsqrt(jnp.maximum(deg_out, 1.0))
    norm_dst = jax.lax.rsqrt(jnp.maximum(deg_in, 1.0))
    # in_feats == out_feats: apply weight first (mult_first path in DGL)
    h = node_features @ W
    h = h * norm_src[:, None]
    # message passing: sum aggregation over edges (gather from src, scatter-add to dst)
    agg = jnp.zeros_like(h).at[dst].add(h[src])
    agg = agg * norm_dst[:, None] + b
    # BatchNorm1d in eval mode (running_mean=0, running_var=1, eps=1e-5), then ReLU; Dropout is identity in eval
    eps = 1e-5
    y = agg * (gamma / jnp.sqrt(1.0 + eps)) + beta
    return jax.nn.relu(y)

if __name__ == "__main__":
    import jax
    _d = setup_inputs()
    print(jax.jit(kernel)(*tuple(_d.values())))

</pallas_src>

<mosaic_0001>
#map = affine_map<(d0, d1) -> (0, 0, 0, 0)>
#map1 = affine_map<(d0, d1) -> (0)>
module attributes {stable_mosaic.version = 14 : i64} {
  func.func @_degree_body(%arg0: i32, %arg1: i32, %arg2: memref<2x16x80x128xi32, #tpu.memory_space<hbm>>, %arg3: memref<20000xf32, #tpu.memory_space<hbm>>, %arg4: memref<80x128xi32, #tpu.memory_space<vmem>>, %arg5: memref<128xf32, #tpu.memory_space<vmem>>, %arg6: memref<10000xf32, #tpu.memory_space<vmem>>, %arg7: memref<10016xf32, #tpu.memory_space<vmem_shared>>, %arg8: memref<!tpu.dma_semaphore, #tpu.memory_space<semaphore_mem>>) attributes {dimension_semantics = [#tpu.dimension_semantics<core_parallel>, #tpu.dimension_semantics<subcore_parallel>], iteration_bounds = array<i64: 2, 16>, scalar_prefetch = 0 : i64, scratch_operands = 5 : i64, tpu.core_type = #tpu.core_type<sc_vector_subcore>, window_params = [{transform_indices = #map}, {transform_indices = #map1}]} {
    "tpu.region"() ({
      %run_scoped3A = tpu.sem_alloc : memref<!tpu.dma_semaphore, #tpu.memory_space<semaphore_mem>>
      %dma_start3A = arith.constant 0 : i32
      %dma_start3A_22 = arith.constant 0 : i32
      %dma_start3A_23 = tpu.memref_slice %arg2[%arg0, %arg1, %dma_start3A, %dma_start3A_22] : memref<2x16x80x128xi32, #tpu.memory_space<hbm>> -> memref<1x1x80x128xi32, #tpu.memory_space<hbm>>
      %dma_start3A_24 = tpu.memref_squeeze %dma_start3A_23 : memref<1x1x80x128xi32, #tpu.memory_space<hbm>> -> memref<80x128xi32, #tpu.memory_space<hbm>>
      %dma_start3A_25 = arith.constant 0 : i32
      %dma_start3A_26 = arith.constant 0 : i32
      %dma_start3A_27 = tpu.memref_slice %arg2[%arg0, %arg1, %dma_start3A_25, %dma_start3A_26] : memref<2x16x80x128xi32, #tpu.memory_space<hbm>> -> memref<1x1x80x128xi32, #tpu.memory_space<hbm>>
      %dma_start3A_28 = tpu.memref_squeeze %dma_start3A_27 : memref<1x1x80x128xi32, #tpu.memory_space<hbm>> -> memref<80x128xi32, #tpu.memory_space<hbm>>
      tpu.enqueue_dma source(%dma_start3A_28 : memref<80x128xi32, #tpu.memory_space<hbm>>) target(%arg4 : memref<80x128xi32, #tpu.memory_space<vmem>>) target_semaphore(%run_scoped3A : memref<!tpu.dma_semaphore, #tpu.memory_space<semaphore_mem>>)
      %dma_wait3A = arith.constant 0 : i32
      %dma_wait3A_29 = arith.constant 0 : i32
      %dma_wait3A_30 = tpu.memref_slice %arg2[%arg0, %arg1, %dma_wait3A, %dma_wait3A_29] : memref<2x16x80x128xi32, #tpu.memory_space<hbm>> -> memref<1x1x80x128xi32, #tpu.memory_space<hbm>>
      %dma_wait3A_31 = tpu.memref_squeeze %dma_wait3A_30 : memref<1x1x80x128xi32, #tpu.memory_space<hbm>> -> memref<80x128xi32, #tpu.memory_space<hbm>>
      %dma_wait3A_32 = arith.constant 0 : i32
      %dma_wait3A_33 = arith.constant 0 : i32
      %dma_wait3A_34 = tpu.memref_slice %arg2[%arg0, %arg1, %dma_wait3A_32, %dma_wait3A_33] : memref<2x16x80x128xi32, #tpu.memory_space<hbm>> -> memref<1x1x80x128xi32, #tpu.memory_space<hbm>>
      %dma_wait3A_35 = tpu.memref_squeeze %dma_wait3A_34 : memref<1x1x80x128xi32, #tpu.memory_space<hbm>> -> memref<80x128xi32, #tpu.memory_space<hbm>>
      tpu.wait_dma2 semaphore(%run_scoped3A : memref<!tpu.dma_semaphore, #tpu.memory_space<semaphore_mem>>) src(%dma_wait3A_35 : memref<80x128xi32, #tpu.memory_space<hbm>>) dst(%arg4 : memref<80x128xi32, #tpu.memory_space<vmem>>)
      tpu.yield
    }) : () -> ()
    %scan3A = arith.constant 0 : i32
    %scan3A_0 = arith.constant 8 : i32
    %scan3A_1 = arith.addi %scan3A, %scan3A_0 : i32
    %scan3A_2 = arith.constant 1 : i32
    scf.for %scan3A_22 = %scan3A to %scan3A_1 step %scan3A_2  : i32 {
      %mul3A = arith.constant 1 : i32
      %mul3A_23 = arith.muli %scan3A_22, %mul3A : i32
      %add3A = arith.constant 0 : i32
      %add3A_24 = arith.addi %add3A, %mul3A_23 : i32
      %broadcast_in_dim3A = arith.constant 1.000000e+00 : f32
      %broadcast_in_dim3A_25 = vector.broadcast %broadcast_in_dim3A : f32 to vector<16xf32>
      %mul3A_26 = arith.constant 16 : i32
      %mul3A_27 = arith.muli %add3A_24, %mul3A_26 : i32
      %swap3A = arith.index_cast %mul3A_27 : i32 to index
      %swap3A_28 = tpu.vector_load %arg5[%swap3A] {strides = array<i32>} : memref<128xf32, #tpu.memory_space<vmem>>, vector<16xf32>,
      %swap3A_29 = vector.shape_cast %swap3A_28 : vector<16xf32> to vector<16xf32>
      %swap3A_30 = vector.shape_cast %broadcast_in_dim3A_25 : vector<16xf32> to vector<16xf32>
      tpu.vector_store %arg5[%swap3A], %swap3A_30 {strides = array<i32>} : memref<128xf32, #tpu.memory_space<vmem>>, vector<16xf32>,
    }
    %scan3A_3 = arith.constant 8 : i32
    %eq3A = arith.constant 0 : i32
    %eq3A_4 = arith.cmpi eq, %arg1, %eq3A : i32
    %convert_element_type3A = arith.extui %eq3A_4 : i1 to i32
    %cond3A = arith.constant 0 : i32
    %cond3A_5 = arith.cmpi ne, %convert_element_type3A, %cond3A : i32
    scf.if %cond3A_5 {
      %scan3A_22 = arith.constant 0 : i32
      %scan3A_23 = arith.constant 625 : i32
      %scan3A_24 = arith.addi %scan3A_22, %scan3A_23 : i32
      %scan3A_25 = arith.constant 1 : i32
      scf.for %scan3A_27 = %scan3A_22 to %scan3A_24 step %scan3A_25  : i32 {
        %mul3A = arith.constant 1 : i32
        %mul3A_28 = arith.muli %scan3A_27, %mul3A : i32
        %add3A = arith.constant 0 : i32
        %add3A_29 = arith.addi %add3A, %mul3A_28 : i32
        %broadcast_in_dim3A = arith.constant 0.000000e+00 : f32
        %broadcast_in_dim3A_30 = vector.broadcast %broadcast_in_dim3A : f32 to vector<16xf32>
        %mul3A_31 = arith.constant 16 : i32
        %mul3A_32 = arith.muli %add3A_29, %mul3A_31 : i32
        %swap3A = arith.index_cast %mul3A_32 : i32 to index
        %swap3A_33 = tpu.vector_load %arg6[%swap3A] {strides = array<i32>} : memref<10000xf32, #tpu.memory_space<vmem>>, vector<16xf32>,
        %swap3A_34 = vector.shape_cast %swap3A_33 : vector<16xf32> to vector<16xf32>
        %swap3A_35 = vector.shape_cast %broadcast_in_dim3A_30 : vector<16xf32> to vector<16xf32>
        tpu.vector_store %arg6[%swap3A], %swap3A_35 {strides = array<i32>} : memref<10000xf32, #tpu.memory_space<vmem>>, vector<16xf32>,
      }
      %scan3A_26 = arith.constant 625 : i32
      "tpu.region"() ({
        %run_scoped3A = tpu.sem_alloc : memref<!tpu.dma_semaphore, #tpu.memory_space<semaphore_mem>>
        %dma_start3A = arith.constant 0 : i32
        %dma_start3A_27 = tpu.memref_slice %arg7[%dma_start3A] : memref<10016xf32, #tpu.memory_space<vmem_shared>> -> memref<10000xf32, #tpu.memory_space<vmem_shared>>
        %dma_start3A_28 = arith.constant 0 : i32
        %dma_start3A_29 = tpu.memref_slice %arg7[%dma_start3A_28] : memref<10016xf32, #tpu.memory_space<vmem_shared>> -> memref<10000xf32, #tpu.memory_space<vmem_shared>>
        tpu.enqueue_dma source(%arg6 : memref<10000xf32, #tpu.memory_space<vmem>>) target(%dma_start3A_29 : memref<10000xf32, #tpu.memory_space<vmem_shared>>) target_semaphore(%run_scoped3A : memref<!tpu.dma_semaphore, #tpu.memory_space<semaphore_mem>>)
        %dma_wait3A = arith.constant 0 : i32
        %dma_wait3A_30 = tpu.memref_slice %arg7[%dma_wait3A] : memref<10016xf32, #tpu.memory_space<vmem_shared>> -> memref<10000xf32, #tpu.memory_space<vmem_shared>>
        %dma_wait3A_31 = arith.constant 0 : i32
        %dma_wait3A_32 = tpu.memref_slice %arg7[%dma_wait3A_31] : memref<10016xf32, #tpu.memory_space<vmem_shared>> -> memref<10000xf32, #tpu.memory_space<vmem_shared>>
        tpu.wait_dma2 semaphore(%run_scoped3A : memref<!tpu.dma_semaphore, #tpu.memory_space<semaphore_mem>>) src(%arg6 : memref<10000xf32, #tpu.memory_space<vmem>>) dst(%dma_wait3A_32 : memref<10000xf32, #tpu.memory_space<vmem_shared>>)
        tpu.yield
      }) : () -> ()
      "tpu.region"() ({
        %run_scoped3A = tpu.sem_alloc : memref<!tpu.dma_semaphore, #tpu.memory_space<semaphore_mem>>
        %dma_start3A = arith.constant 0 : i32
        %dma_start3A_27 = tpu.memref_slice %arg6[%dma_start3A] : memref<10000xf32, #tpu.memory_space<vmem>> -> memref<16xf32, #tpu.memory_space<vmem>>
        %dma_start3A_28 = arith.constant 10000 : i32
        %dma_start3A_29 = tpu.memref_slice %arg7[%dma_start3A_28] : memref<10016xf32, #tpu.memory_space<vmem_shared>> -> memref<16xf32, #tpu.memory_space<vmem_shared>>
        %dma_start3A_30 = arith.constant 10000 : i32
        %dma_start3A_31 = tpu.memref_slice %arg7[%dma_start3A_30] : memref<10016xf32, #tpu.memory_space<vmem_shared>> -> memref<16xf32, #tpu.memory_space<vmem_shared>>
        %dma_start3A_32 = arith.constant 0 : i32
        %dma_start3A_33 = tpu.memref_slice %arg6[%dma_start3A_32] : memref<10000xf32, #tpu.memory_space<vmem>> -> memref<16xf32, #tpu.memory_space<vmem>>
        tpu.enqueue_dma source(%dma_start3A_33 : memref<16xf32, #tpu.memory_space<vmem>>) target(%dma_start3A_31 : memref<16xf32, #tpu.memory_space<vmem_shared>>) target_semaphore(%run_scoped3A : memref<!tpu.dma_semaphore, #tpu.memory_space<semaphore_mem>>)
        %dma_wait3A = arith.constant 0 : i32
        %dma_wait3A_34 = tpu.memref_slice %arg6[%dma_wait3A] : memref<10000xf32, #tpu.memory_space<vmem>> -> memref<16xf32, #tpu.memory_space<vmem>>
        %dma_wait3A_35 = arith.constant 10000 : i32
        %dma_wait3A_36 = tpu.memref_slice %arg7[%dma_wait3A_35] : memref<10016xf32, #tpu.memory_space<vmem_shared>> -> memref<16xf32, #tpu.memory_space<vmem_shared>>
        %dma_wait3A_37 = arith.constant 10000 : i32
        %dma_wait3A_38 = tpu.memref_slice %arg7[%dma_wait3A_37] : memref<10016xf32, #tpu.memory_space<vmem_shared>> -> memref<16xf32, #tpu.memory_space<vmem_shared>>
        %dma_wait3A_39 = arith.constant 0 : i32
        %dma_wait3A_40 = tpu.memref_slice %arg6[%dma_wait3A_39] : memref<10000xf32, #tpu.memory_space<vmem>> -> memref<16xf32, #tpu.memory_space<vmem>>
        tpu.wait_dma2 semaphore(%run_scoped3A : memref<!tpu.dma_semaphore, #tpu.memory_space<semaphore_mem>>) src(%dma_wait3A_40 : memref<16xf32, #tpu.memory_space<vmem>>) dst(%dma_wait3A_38 : memref<16xf32, #tpu.memory_space<vmem_shared>>)
        tpu.yield
      }) : () -> ()
    } else {
    }
    %barrier3A = arith.constant 0 : index
    tpu.barrier barrier_id(%barrier3A)
    %scan3A_6 = arith.constant 0 : i32
    %scan3A_7 = arith.constant 80 : i32
    %scan3A_8 = arith.addi %scan3A_6, %scan3A_7 : i32
    %scan3A_9 = arith.constant 1 : i32
    scf.for %scan3A_22 = %scan3A_6 to %scan3A_8 step %scan3A_9  : i32 {
      %mul3A = arith.constant 1 : i32
      %mul3A_23 = arith.muli %scan3A_22, %mul3A : i32
      %add3A = arith.constant 0 : i32
      %add3A_24 = arith.addi %add3A, %mul3A_23 : i32
      %dma_start3A = arith.constant 0 : i32
      %dma_start3A_25 = tpu.memref_slice %arg4[%add3A_24, %dma_start3A] : memref<80x128xi32, #tpu.memory_space<vmem>> -> memref<1x128xi32, #tpu.memory_space<vmem>>
      %dma_start3A_26 = tpu.memref_squeeze %dma_start3A_25 : memref<1x128xi32, #tpu.memory_space<vmem>> -> memref<128xi32, #tpu.memory_space<vmem>>
      %dma_start3A_27 = arith.constant 0 : i32
      %dma_start3A_28 = tpu.memref_slice %arg7[%dma_start3A_27] : memref<10016xf32, #tpu.memory_space<vmem_shared>> -> memref<10016xf32, #tpu.memory_space<vmem_shared>>
      tpu.enqueue_indirect_dma source(%arg5 : memref<128xf32, #tpu.memory_space<vmem>>) target(%dma_start3A_28 : memref<10016xf32, #tpu.memory_space<vmem_shared>>) offsets(%dma_start3A_26 : memref<128xi32, #tpu.memory_space<vmem>>) semaphore(%arg8 : memref<!tpu.dma_semaphore, #tpu.memory_space<semaphore_mem>>) {add = true}
    }
    %scan3A_10 = arith.constant 80 : i32
    %scan3A_11 = arith.constant 0 : i32
    %scan3A_12 = arith.constant 80 : i32
    %scan3A_13 = arith.addi %scan3A_11, %scan3A_12 : i32
    %scan3A_14 = arith.constant 1 : i32
    scf.for %scan3A_22 = %scan3A_11 to %scan3A_13 step %scan3A_14  : i32 {
      %mul3A = arith.constant 1 : i32
      %mul3A_23 = arith.muli %scan3A_22, %mul3A : i32
      %add3A = arith.constant 0 : i32
      %add3A_24 = arith.addi %add3A, %mul3A_23 : i32
      %dma_wait3A = arith.constant 0 : i32
      %dma_wait3A_25 = arith.constant 0 : i32
      %dma_wait3A_26 = tpu.memref_slice %arg4[%dma_wait3A, %dma_wait3A_25] : memref<80x128xi32, #tpu.memory_space<vmem>> -> memref<1x128xi32, #tpu.memory_space<vmem>>
      %dma_wait3A_27 = tpu.memref_squeeze %dma_wait3A_26 : memref<1x128xi32, #tpu.memory_space<vmem>> -> memref<128xi32, #tpu.memory_space<vmem>>
      %dma_wait3A_28 = arith.constant 0 : i32
      %dma_wait3A_29 = tpu.memref_slice %arg7[%dma_wait3A_28] : memref<10016xf32, #tpu.memory_space<vmem_shared>> -> memref<10016xf32, #tpu.memory_space<vmem_shared>>
      tpu.wait_indirect_dma semaphore(%arg8 : memref<!tpu.dma_semaphore, #tpu.memory_space<semaphore_mem>>) src(%arg5 : memref<128xf32, #tpu.memory_space<vmem>>) dst(%dma_wait3A_29 : memref<10016xf32, #tpu.memory_space<vmem_shared>>)
    }
    %scan3A_15 = arith.constant 80 : i32
    %barrier3A_16 = arith.constant 0 : index
    tpu.barrier barrier_id(%barrier3A_16)
    %eq3A_17 = arith.constant 0 : i32
    %eq3A_18 = arith.cmpi eq, %arg1, %eq3A_17 : i32
    %convert_element_type3A_19 = arith.extui %eq3A_18 : i1 to i32
    %cond3A_20 = arith.constant 0 : i32
    %cond3A_21 = arith.cmpi ne, %convert_element_type3A_19, %cond3A_20 : i32
    scf.if %cond3A_21 {
      "tpu.region"() ({
        %run_scoped3A = tpu.sem_alloc : memref<!tpu.dma_semaphore, #tpu.memory_space<semaphore_mem>>
        %dma_start3A = arith.constant 0 : i32
        %dma_start3A_23 = tpu.memref_slice %arg7[%dma_start3A] : memref<10016xf32, #tpu.memory_space<vmem_shared>> -> memref<10000xf32, #tpu.memory_space<vmem_shared>>
        %dma_start3A_24 = arith.constant 0 : i32
        %dma_start3A_25 = tpu.memref_slice %arg7[%dma_start3A_24] : memref<10016xf32, #tpu.memory_space<vmem_shared>> -> memref<10000xf32, #tpu.memory_space<vmem_shared>>
        tpu.enqueue_dma source(%dma_start3A_25 : memref<10000xf32, #tpu.memory_space<vmem_shared>>) target(%arg6 : memref<10000xf32, #tpu.memory_space<vmem>>) target_semaphore(%run_scoped3A : memref<!tpu.dma_semaphore, #tpu.memory_space<semaphore_mem>>)
        %dma_wait3A = arith.constant 0 : i32
        %dma_wait3A_26 = tpu.memref_slice %arg7[%dma_wait3A] : memref<10016xf32, #tpu.memory_space<vmem_shared>> -> memref<10000xf32, #tpu.memory_space<vmem_shared>>
        %dma_wait3A_27 = arith.constant 0 : i32
        %dma_wait3A_28 = tpu.memref_slice %arg7[%dma_wait3A_27] : memref<10016xf32, #tpu.memory_space<vmem_shared>> -> memref<10000xf32, #tpu.memory_space<vmem_shared>>
        tpu.wait_dma2 semaphore(%run_scoped3A : memref<!tpu.dma_semaphore, #tpu.memory_space<semaphore_mem>>) src(%dma_wait3A_28 : memref<10000xf32, #tpu.memory_space<vmem_shared>>) dst(%arg6 : memref<10000xf32, #tpu.memory_space<vmem>>)
        tpu.yield
      }) : () -> ()
      %mul3A = arith.constant 10000 : i32
      %mul3A_22 = arith.muli %arg0, %mul3A : i32
      "tpu.region"() ({
        %run_scoped3A = tpu.sem_alloc : memref<!tpu.dma_semaphore, #tpu.memory_space<semaphore_mem>>
        %dma_start3A = tpu.memref_slice %arg3[%mul3A_22] : memref<20000xf32, #tpu.memory_space<hbm>> -> memref<10000xf32, #tpu.memory_space<hbm>>
        %dma_start3A_23 = tpu.memref_slice %arg3[%mul3A_22] : memref<20000xf32, #tpu.memory_space<hbm>> -> memref<10000xf32, #tpu.memory_space<hbm>>
        tpu.enqueue_dma source(%arg6 : memref<10000xf32, #tpu.memory_space<vmem>>) target(%dma_start3A_23 : memref<10000xf32, #tpu.memory_space<hbm>>) target_semaphore(%run_scoped3A : memref<!tpu.dma_semaphore, #tpu.memory_space<semaphore_mem>>)
        %dma_wait3A = tpu.memref_slice %arg3[%mul3A_22] : memref<20000xf32, #tpu.memory_space<hbm>> -> memref<10000xf32, #tpu.memory_space<hbm>>
        %dma_wait3A_24 = tpu.memref_slice %arg3[%mul3A_22] : memref<20000xf32, #tpu.memory_space<hbm>> -> memref<10000xf32, #tpu.memory_space<hbm>>
        tpu.wait_dma2 semaphore(%run_scoped3A : memref<!tpu.dma_semaphore, #tpu.memory_space<semaphore_mem>>) src(%arg6 : memref<10000xf32, #tpu.memory_space<vmem>>) dst(%dma_wait3A_24 : memref<10000xf32, #tpu.memory_space<hbm>>)
        tpu.yield
      }) : () -> ()
    } else {
    }
    return
  }
}

#map = affine_map<(d0, d1) -> (0, 0, 0, 0)>
#map1 = affine_map<(d0, d1) -> (0, 0, 0)>
#map2 = affine_map<(d0, d1) -> (0, 0)>
module attributes {stable_mosaic.version = 14 : i64} {
  func.func @_agg_body(%arg0: i32, %arg1: i32, %arg2: memref<2x16x128x80xi32, #tpu.memory_space<hbm>>, %arg3: memref<16x128x80xi32, #tpu.memory_space<hbm>>, %arg4: memref<20000x128xf32, #tpu.memory_space<hbm>>, %arg5: memref<2x10000x128xf32, #tpu.memory_space<hbm>>, %arg6: memref<16x80xi32, #tpu.memory_space<vmem>>, %arg7: memref<16x80xi32, #tpu.memory_space<vmem>>, %arg8: memref<80x128xf32, #tpu.memory_space<vmem>>, %arg9: memref<80x128xf32, #tpu.memory_space<vmem>>, %arg10: memref<80x128xf32, #tpu.memory_space<vmem>>, %arg11: memref<80x128xf32, #tpu.memory_space<vmem>>, %arg12: memref<16x128xf32, #tpu.memory_space<vmem>>, %arg13: memref<10016x128xf32, #tpu.memory_space<vmem_shared>>, %arg14: memref<!tpu.dma_semaphore, #tpu.memory_space<semaphore_mem>>, %arg15: memref<!tpu.dma_semaphore, #tpu.memory_space<semaphore_mem>>, %arg16: memref<!tpu.dma_semaphore, #tpu.memory_space<semaphore_mem>>, %arg17: memref<!tpu.dma_semaphore, #tpu.memory_space<semaphore_mem>>) attributes {dimension_semantics = [#tpu.dimension_semantics<core_parallel>, #tpu.dimension_semantics<subcore_parallel>], iteration_bounds = array<i64: 2, 16>, scalar_prefetch = 0 : i64, scratch_operands = 12 : i64, tpu.core_type = #tpu.core_type<sc_vector_subcore>, window_params = [{transform_indices = #map}, {transform_indices = #map1}, {transform_indices = #map2}, {transform_indices = #map1}]} {
    %scan3A = arith.constant 0 : i32
    %scan3A_0 = arith.constant 16 : i32
    %scan3A_1 = arith.addi %scan3A, %scan3A_0 : i32
    %scan3A_2 = arith.constant 1 : i32
    scf.for %scan3A_42 = %scan3A to %scan3A_1 step %scan3A_2  : i32 {
      %mul3A = arith.constant 1 : i32
      %mul3A_43 = arith.muli %scan3A_42, %mul3A : i32
      %add3A_44 = arith.constant 0 : i32
      %add3A_45 = arith.addi %add3A_44, %mul3A_43 : i32
      %broadcast_in_dim3A = arith.constant 0.000000e+00 : f32
      %broadcast_in_dim3A_46 = vector.broadcast %broadcast_in_dim3A : f32 to vector<16xf32>
      %swap3A = arith.index_cast %add3A_45 : i32 to index
      %swap3A_47 = arith.constant 0 : index
      %swap3A_48 = tpu.vector_load %arg12[%swap3A, %swap3A_47] {strides = array<i32>} : memref<16x128xf32, #tpu.memory_space<vmem>>, vector<1x16xf32>,
      %swap3A_49 = vector.shape_cast %swap3A_48 : vector<1x16xf32> to vector<16xf32>
      %swap3A_50 = vector.shape_cast %broadcast_in_dim3A_46 : vector<16xf32> to vector<1x16xf32>
      tpu.vector_store %arg12[%swap3A, %swap3A_47], %swap3A_50 {strides = array<i32>} : memref<16x128xf32, #tpu.memory_space<vmem>>, vector<1x16xf32>,
      %broadcast_in_dim3A_51 = arith.constant 0.000000e+00 : f32
      %broadcast_in_dim3A_52 = vector.broadcast %broadcast_in_dim3A_51 : f32 to vector<16xf32>
      %swap3A_53 = arith.index_cast %add3A_45 : i32 to index
      %swap3A_54 = arith.constant 16 : index
      %swap3A_55 = tpu.vector_load %arg12[%swap3A_53, %swap3A_54] {strides = array<i32>} : memref<16x128xf32, #tpu.memory_space<vmem>>, vector<1x16xf32>,
      %swap3A_56 = vector.shape_cast %swap3A_55 : vector<1x16xf32> to vector<16xf32>
      %swap3A_57 = vector.shape_cast %broadcast_in_dim3A_52 : vector<16xf32> to vector<1x16xf32>
      tpu.vector_store %arg12[%swap3A_53, %swap3A_54], %swap3A_57 {strides = array<i32>} : memref<16x128xf32, #tpu.memory_space<vmem>>, vector<1x16xf32>,
      %broadcast_in_dim3A_58 = arith.constant 0.000000e+00 : f32
      %broadcast_in_dim3A_59 = vector.broadcast %broadcast_in_dim3A_58 : f32 to vector<16xf32>
      %swap3A_60 = arith.index_cast %add3A_45 : i32 to index
      %swap3A_61 = arith.constant 32 : index
      %swap3A_62 = tpu.vector_load %arg12[%swap3A_60, %swap3A_61] {strides = array<i32>} : memref<16x128xf32, #tpu.memory_space<vmem>>, vector<1x16xf32>,
      %swap3A_63 = vector.shape_cast %swap3A_62 : vector<1x16xf32> to vector<16xf32>
      %swap3A_64 = vector.shape_cast %broadcast_in_dim3A_59 : vector<16xf32> to vector<1x16xf32>
      tpu.vector_store %arg12[%swap3A_60, %swap3A_61], %swap3A_64 {strides = array<i32>} : memref<16x128xf32, #tpu.memory_space<vmem>>, vector<1x16xf32>,
      %broadcast_in_dim3A_65 = arith.constant 0.000000e+00 : f32
      %broadcast_in_dim3A_66 = vector.broadcast %broadcast_in_dim3A_65 : f32 to vector<16xf32>
      %swap3A_67 = arith.index_cast %add3A_45 : i32 to index
      %swap3A_68 = arith.constant 48 : index
      %swap3A_69 = tpu.vector_load %arg12[%swap3A_67, %swap3A_68] {strides = array<i32>} : memref<16x128xf32, #tpu.memory_space<vmem>>, vector<1x16xf32>,
      %swap3A_70 = vector.shape_cast %swap3A_69 : vector<1x16xf32> to vector<16xf32>
      %swap3A_71 = vector.shape_cast %broadcast_in_dim3A_66 : vector<16xf32> to vector<1x16xf32>
      tpu.vector_store %arg12[%swap3A_67, %swap3A_68], %swap3A_71 {strides = array<i32>} : memref<16x128xf32, #tpu.memory_space<vmem>>, vector<1x16xf32>,
      %broadcast_in_dim3A_72 = arith.constant 0.000000e+00 : f32
      %broadcast_in_dim3A_73 = vector.broadcast %broadcast_in_dim3A_72 : f32 to vector<16xf32>
      %swap3A_74 = arith.index_cast %add3A_45 : i32 to index
      %swap3A_75 = arith.constant 64 : index
      %swap3A_76 = tpu.vector_load %arg12[%swap3A_74, %swap3A_75] {strides = array<i32>} : memref<16x128xf32, #tpu.memory_space<vmem>>, vector<1x16xf32>,
      %swap3A_77 = vector.shape_cast %swap3A_76 : vector<1x16xf32> to vector<16xf32>
      %swap3A_78 = vector.shape_cast %broadcast_in_dim3A_73 : vector<16xf32> to vector<1x16xf32>
      tpu.vector_store %arg12[%swap3A_74, %swap3A_75], %swap3A_78 {strides = array<i32>} : memref<16x128xf32, #tpu.memory_space<vmem>>, vector<1x16xf32>,
      %broadcast_in_dim3A_79 = arith.constant 0.000000e+00 : f32
      %broadcast_in_dim3A_80 = vector.broadcast %broadcast_in_dim3A_79 : f32 to vector<16xf32>
      %swap3A_81 = arith.index_cast %add3A_45 : i32 to index
      %swap3A_82 = arith.constant 80 : index
      %swap3A_83 = tpu.vector_load %arg12[%swap3A_81, %swap3A_82] {strides = array<i32>} : memref<16x128xf32, #tpu.memory_space<vmem>>, vector<1x16xf32>,
      %swap3A_84 = vector.shape_cast %swap3A_83 : vector<1x16xf32> to vector<16xf32>
      %swap3A_85 = vector.shape_cast %broadcast_in_dim3A_80 : vector<16xf32> to vector<1x16xf32>
      tpu.vector_store %arg12[%swap3A_81, %swap3A_82], %swap3A_85 {strides = array<i32>} : memref<16x128xf32, #tpu.memory_space<vmem>>, vector<1x16xf32>,
      %broadcast_in_dim3A_86 = arith.constant 0.000000e+00 : f32
      %broadcast_in_dim3A_87 = vector.broadcast %broadcast_in_dim3A_86 : f32 to vector<16xf32>
      %swap3A_88 = arith.index_cast %add3A_45 : i32 to index
      %swap3A_89 = arith.constant 96 : index
      %swap3A_90 = tpu.vector_load %arg12[%swap3A_88, %swap3A_89] {strides = array<i32>} : memref<16x128xf32, #tpu.memory_space<vmem>>, vector<1x16xf32>,
      %swap3A_91 = vector.shape_cast %swap3A_90 : vector<1x16xf32> to vector<16xf32>
      %swap3A_92 = vector.shape_cast %broadcast_in_dim3A_87 : vector<16xf32> to vector<1x16xf32>
      tpu.vector_store %arg12[%swap3A_88, %swap3A_89], %swap3A_92 {strides = array<i32>} : memref<16x128xf32, #tpu.memory_space<vmem>>, vector<1x16xf32>,
      %broadcast_in_dim3A_93 = arith.constant 0.000000e+00 : f32
      %broadcast_in_dim3A_94 = vector.broadcast %broadcast_in_dim3A_93 : f32 to vector<16xf32>
      %swap3A_95 = arith.index_cast %add3A_45 : i32 to index
      %swap3A_96 = arith.constant 112 : index
      %swap3A_97 = tpu.vector_load %arg12[%swap3A_95, %swap3A_96] {strides = array<i32>} : memref<16x128xf32, #tpu.memory_space<vmem>>, vector<1x16xf32>,
      %swap3A_98 = vector.shape_cast %swap3A_97 : vector<1x16xf32> to vector<16xf32>
      %swap3A_99 = vector.shape_cast %broadcast_in_dim3A_94 : vector<16xf32> to vector<1x16xf32>
      tpu.vector_store %arg12[%swap3A_95, %swap3A_96], %swap3A_99 {strides = array<i32>} : memref<16x128xf32, #tpu.memory_space<vmem>>, vector<1x16xf32>,
    }
    %scan3A_3 = arith.constant 16 : i32
    %sub3A = arith.constant 626 : i32
    %sub3A_4 = arith.subi %sub3A, %arg1 : i32
    %sub3A_5 = arith.constant 16 : i32
    %sub3A_6 = arith.constant 1 : i32
    %sub3A_7 = arith.subi %sub3A_5, %sub3A_6 : i32
    %add3A = arith.addi %sub3A_4, %sub3A_7 : i32
    %div3A = arith.constant 16 : i32
    %div3A_8 = arith.divsi %add3A, %div3A : i32
    %while3A = arith.constant 16 : i32
    %while3A_9 = arith.constant 0 : i32
    %while3A_10 = arith.subi %div3A_8, %while3A_9 : i32
    %while3A_11 = arith.addi %while3A_9, %while3A_10 : i32
    %while3A_12 = arith.constant 1 : i32
    %while3A_13 = arith.divsi %while3A_10, %while3A_12 : i32
    %while3A_14 = arith.muli %while3A_13, %while3A_12 : i32
    %while3A_15 = arith.addi %while3A_9, %while3A_14 : i32
    %while3A_16 = arith.constant 1 : i32
    scf.for %while3A_42 = %while3A_9 to %while3A_15 step %while3A_16  : i32 {
      %mul3A = arith.muli %while3A_42, %while3A : i32
      %add3A_43 = arith.addi %arg1, %mul3A : i32
      %mul3A_44 = arith.constant 16 : i32
      %mul3A_45 = arith.muli %add3A_43, %mul3A_44 : i32
      "tpu.region"() ({
        %run_scoped3A = tpu.sem_alloc : memref<!tpu.dma_semaphore, #tpu.memory_space<semaphore_mem>>
        %dma_start3A = arith.constant 0 : i32
        %dma_start3A_46 = tpu.memref_slice %arg13[%mul3A_45, %dma_start3A] : memref<10016x128xf32, #tpu.memory_space<vmem_shared>> -> memref<16x128xf32, #tpu.memory_space<vmem_shared>>
        %dma_start3A_47 = arith.constant 0 : i32
        %dma_start3A_48 = tpu.memref_slice %arg13[%mul3A_45, %dma_start3A_47] : memref<10016x128xf32, #tpu.memory_space<vmem_shared>> -> memref<16x128xf32, #tpu.memory_space<vmem_shared>>
        tpu.enqueue_dma source(%arg12 : memref<16x128xf32, #tpu.memory_space<vmem>>) target(%dma_start3A_48 : memref<16x128xf32, #tpu.memory_space<vmem_shared>>) target_semaphore(%run_scoped3A : memref<!tpu.dma_semaphore, #tpu.memory_space<semaphore_mem>>)
        %dma_wait3A = arith.constant 0 : i32
        %dma_wait3A_49 = tpu.memref_slice %arg13[%mul3A_45, %dma_wait3A] : memref<10016x128xf32, #tpu.memory_space<vmem_shared>> -> memref<16x128xf32, #tpu.memory_space<vmem_shared>>
        %dma_wait3A_50 = arith.constant 0 : i32
        %dma_wait3A_51 = tpu.memref_slice %arg13[%mul3A_45, %dma_wait3A_50] : memref<10016x128xf32, #tpu.memory_space<vmem_shared>> -> memref<16x128xf32, #tpu.memory_space<vmem_shared>>
        tpu.wait_dma2 semaphore(%run_scoped3A : memref<!tpu.dma_semaphore, #tpu.memory_space<semaphore_mem>>) src(%arg12 : memref<16x128xf32, #tpu.memory_space<vmem>>) dst(%dma_wait3A_51 : memref<16x128xf32, #tpu.memory_space<vmem_shared>>)
        tpu.yield
      }) : () -> ()
    }
    %while3A_17 = arith.constant 1 : i32
    scf.for %while3A_42 = %while3A_15 to %while3A_11 step %while3A_17  : i32 {
      %mul3A = arith.muli %while3A_42, %while3A : i32
      %add3A_43 = arith.addi %arg1, %mul3A : i32
      %mul3A_44 = arith.constant 16 : i32
      %mul3A_45 = arith.muli %add3A_43, %mul3A_44 : i32
      "tpu.region"() ({
        %run_scoped3A = tpu.sem_alloc : memref<!tpu.dma_semaphore, #tpu.memory_space<semaphore_mem>>
        %dma_start3A = arith.constant 0 : i32
        %dma_start3A_46 = tpu.memref_slice %arg13[%mul3A_45, %dma_start3A] : memref<10016x128xf32, #tpu.memory_space<vmem_shared>> -> memref<16x128xf32, #tpu.memory_space<vmem_shared>>
        %dma_start3A_47 = arith.constant 0 : i32
        %dma_start3A_48 = tpu.memref_slice %arg13[%mul3A_45, %dma_start3A_47] : memref<10016x128xf32, #tpu.memory_space<vmem_shared>> -> memref<16x128xf32, #tpu.memory_space<vmem_shared>>
        tpu.enqueue_dma source(%arg12 : memref<16x128xf32, #tpu.memory_space<vmem>>) target(%dma_start3A_48 : memref<16x128xf32, #tpu.memory_space<vmem_shared>>) target_semaphore(%run_scoped3A : memref<!tpu.dma_semaphore, #tpu.memory_space<semaphore_mem>>)
        %dma_wait3A = arith.constant 0 : i32
        %dma_wait3A_49 = tpu.memref_slice %arg13[%mul3A_45, %dma_wait3A] : memref<10016x128xf32, #tpu.memory_space<vmem_shared>> -> memref<16x128xf32, #tpu.memory_space<vmem_shared>>
        %dma_wait3A_50 = arith.constant 0 : i32
        %dma_wait3A_51 = tpu.memref_slice %arg13[%mul3A_45, %dma_wait3A_50] : memref<10016x128xf32, #tpu.memory_space<vmem_shared>> -> memref<16x128xf32, #tpu.memory_space<vmem_shared>>
        tpu.wait_dma2 semaphore(%run_scoped3A : memref<!tpu.dma_semaphore, #tpu.memory_space<semaphore_mem>>) src(%arg12 : memref<16x128xf32, #tpu.memory_space<vmem>>) dst(%dma_wait3A_51 : memref<16x128xf32, #tpu.memory_space<vmem_shared>>)
        tpu.yield
      }) : () -> ()
    }
    %barrier3A = arith.constant 0 : index
    tpu.barrier barrier_id(%barrier3A)
    %scan3A_18 = arith.constant 0 : i32
    %scan3A_19 = arith.constant 8 : i32
    %scan3A_20 = arith.addi %scan3A_18, %scan3A_19 : i32
    %scan3A_21 = arith.constant 1 : i32
    scf.for %scan3A_42 = %scan3A_18 to %scan3A_20 step %scan3A_21  : i32 {
      %mul3A = arith.constant 1 : i32
      %mul3A_43 = arith.muli %scan3A_42, %mul3A : i32
      %add3A_44 = arith.constant 0 : i32
      %add3A_45 = arith.addi %add3A_44, %mul3A_43 : i32
      %mul3A_46 = arith.constant 16 : i32
      %mul3A_47 = arith.muli %add3A_45, %mul3A_46 : i32
      %multiple_of3A = tpu.assume_multiple %mul3A_47, 8 : i32
      "tpu.region"() ({
        %run_scoped3A = tpu.sem_alloc : memref<!tpu.dma_semaphore, #tpu.memory_space<semaphore_mem>>
        %dma_start3A_80 = arith.constant 0 : i32
        %dma_start3A_81 = tpu.memref_slice %arg2[%arg0, %arg1, %multiple_of3A, %dma_start3A_80] : memref<2x16x128x80xi32, #tpu.memory_space<hbm>> -> memref<1x1x16x80xi32, #tpu.memory_space<hbm>>
        %dma_start3A_82 = tpu.memref_squeeze %dma_start3A_81 : memref<1x1x16x80xi32, #tpu.memory_space<hbm>> -> memref<16x80xi32, #tpu.memory_space<hbm>>
        %dma_start3A_83 = arith.constant 0 : i32
        %dma_start3A_84 = tpu.memref_slice %arg2[%arg0, %arg1, %multiple_of3A, %dma_start3A_83] : memref<2x16x128x80xi32, #tpu.memory_space<hbm>> -> memref<1x1x16x80xi32, #tpu.memory_space<hbm>>
        %dma_start3A_85 = tpu.memref_squeeze %dma_start3A_84 : memref<1x1x16x80xi32, #tpu.memory_space<hbm>> -> memref<16x80xi32, #tpu.memory_space<hbm>>
        tpu.enqueue_dma source(%dma_start3A_85 : memref<16x80xi32, #tpu.memory_space<hbm>>) target(%arg6 : memref<16x80xi32, #tpu.memory_space<vmem>>) target_semaphore(%run_scoped3A : memref<!tpu.dma_semaphore, #tpu.memory_space<semaphore_mem>>)
        %dma_wait3A = arith.constant 0 : i32
        %dma_wait3A_86 = tpu.memref_slice %arg2[%arg0, %arg1, %multiple_of3A, %dma_wait3A] : memref<2x16x128x80xi32, #tpu.memory_space<hbm>> -> memref<1x1x16x80xi32, #tpu.memory_space<hbm>>
        %dma_wait3A_87 = tpu.memref_squeeze %dma_wait3A_86 : memref<1x1x16x80xi32, #tpu.memory_space<hbm>> -> memref<16x80xi32, #tpu.memory_space<hbm>>
        %dma_wait3A_88 = arith.constant 0 : i32
        %dma_wait3A_89 = tpu.memref_slice %arg2[%arg0, %arg1, %multiple_of3A, %dma_wait3A_88] : memref<2x16x128x80xi32, #tpu.memory_space<hbm>> -> memref<1x1x16x80xi32, #tpu.memory_space<hbm>>
        %dma_wait3A_90 = tpu.memref_squeeze %dma_wait3A_89 : memref<1x1x16x80xi32, #tpu.memory_space<hbm>> -> memref<16x80xi32, #tpu.memory_space<hbm>>
        tpu.wait_dma2 semaphore(%run_scoped3A : memref<!tpu.dma_semaphore, #tpu.memory_space<semaphore_mem>>) src(%dma_wait3A_90 : memref<16x80xi32, #tpu.memory_space<hbm>>) dst(%arg6 : memref<16x80xi32, #tpu.memory_space<vmem>>)
        tpu.yield
      }) : () -> ()
      "tpu.region"() ({
        %run_scoped3A = tpu.sem_alloc : memref<!tpu.dma_semaphore, #tpu.memory_space<semaphore_mem>>
        %dma_start3A_80 = arith.constant 0 : i32
        %dma_start3A_81 = tpu.memref_slice %arg3[%arg1, %multiple_of3A, %dma_start3A_80] : memref<16x128x80xi32, #tpu.memory_space<hbm>> -> memref<1x16x80xi32, #tpu.memory_space<hbm>>
        %dma_start3A_82 = tpu.memref_squeeze %dma_start3A_81 : memref<1x16x80xi32, #tpu.memory_space<hbm>> -> memref<16x80xi32, #tpu.memory_space<hbm>>
        %dma_start3A_83 = arith.constant 0 : i32
        %dma_start3A_84 = tpu.memref_slice %arg3[%arg1, %multiple_of3A, %dma_start3A_83] : memref<16x128x80xi32, #tpu.memory_space<hbm>> -> memref<1x16x80xi32, #tpu.memory_space<hbm>>
        %dma_start3A_85 = tpu.memref_squeeze %dma_start3A_84 : memref<1x16x80xi32, #tpu.memory_space<hbm>> -> memref<16x80xi32, #tpu.memory_space<hbm>>
        tpu.enqueue_dma source(%dma_start3A_85 : memref<16x80xi32, #tpu.memory_space<hbm>>) target(%arg7 : memref<16x80xi32, #tpu.memory_space<vmem>>) target_semaphore(%run_scoped3A : memref<!tpu.dma_semaphore, #tpu.memory_space<semaphore_mem>>)
        %dma_wait3A = arith.constant 0 : i32
        %dma_wait3A_86 = tpu.memref_slice %arg3[%arg1, %multiple_of3A, %dma_wait3A] : memref<16x128x80xi32, #tpu.memory_space<hbm>> -> memref<1x16x80xi32, #tpu.memory_space<hbm>>
        %dma_wait3A_87 = tpu.memref_squeeze %dma_wait3A_86 : memref<1x16x80xi32, #tpu.memory_space<hbm>> -> memref<16x80xi32, #tpu.memory_space<hbm>>
        %dma_wait3A_88 = arith.constant 0 : i32
        %dma_wait3A_89 = tpu.memref_slice %arg3[%arg1, %multiple_of3A, %dma_wait3A_88] : memref<16x128x80xi32, #tpu.memory_space<hbm>> -> memref<1x16x80xi32, #tpu.memory_space<hbm>>
        %dma_wait3A_90 = tpu.memref_squeeze %dma_wait3A_89 : memref<1x16x80xi32, #tpu.memory_space<hbm>> -> memref<16x80xi32, #tpu.memory_space<hbm>>
        tpu.wait_dma2 semaphore(%run_scoped3A : memref<!tpu.dma_semaphore, #tpu.memory_space<semaphore_mem>>) src(%dma_wait3A_90 : memref<16x80xi32, #tpu.memory_space<hbm>>) dst(%arg7 : memref<16x80xi32, #tpu.memory_space<vmem>>)
        tpu.yield
      }) : () -> ()
      %dma_start3A = arith.constant 0 : i32
      %dma_start3A_48 = arith.constant 0 : i32
      %dma_start3A_49 = tpu.memref_slice %arg6[%dma_start3A, %dma_start3A_48] : memref<16x80xi32, #tpu.memory_space<vmem>> -> memref<1x80xi32, #tpu.memory_space<vmem>>
      %dma_start3A_50 = tpu.memref_squeeze %dma_start3A_49 : memref<1x80xi32, #tpu.memory_space<vmem>> -> memref<80xi32, #tpu.memory_space<vmem>>
      %dma_start3A_51 = arith.constant 0 : i32
      %dma_start3A_52 = arith.constant 0 : i32
      %dma_start3A_53 = tpu.memref_slice %arg4[%dma_start3A_51, %dma_start3A_52] : memref<20000x128xf32, #tpu.memory_space<hbm>> -> memref<20000x128xf32, #tpu.memory_space<hbm>>
      tpu.enqueue_indirect_dma source(%dma_start3A_53 : memref<20000x128xf32, #tpu.memory_space<hbm>>) target(%arg8 : memref<80x128xf32, #tpu.memory_space<vmem>>) offsets(%dma_start3A_50 : memref<80xi32, #tpu.memory_space<vmem>>) semaphore(%arg14 : memref<!tpu.dma_semaphore, #tpu.memory_space<semaphore_mem>>)
      %dma_start3A_54 = arith.constant 1 : i32
      %dma_start3A_55 = arith.constant 0 : i32
      %dma_start3A_56 = tpu.memref_slice %arg6[%dma_start3A_54, %dma_start3A_55] : memref<16x80xi32, #tpu.memory_space<vmem>> -> memref<1x80xi32, #tpu.memory_space<vmem>>
      %dma_start3A_57 = tpu.memref_squeeze %dma_start3A_56 : memref<1x80xi32, #tpu.memory_space<vmem>> -> memref<80xi32, #tpu.memory_space<vmem>>
      %dma_start3A_58 = arith.constant 0 : i32
      %dma_start3A_59 = arith.constant 0 : i32
      %dma_start3A_60 = tpu.memref_slice %arg4[%dma_start3A_58, %dma_start3A_59] : memref<20000x128xf32, #tpu.memory_space<hbm>> -> memref<20000x128xf32, #tpu.memory_space<hbm>>
      tpu.enqueue_indirect_dma source(%dma_start3A_60 : memref<20000x128xf32, #tpu.memory_space<hbm>>) target(%arg9 : memref<80x128xf32, #tpu.memory_space<vmem>>) offsets(%dma_start3A_57 : memref<80xi32, #tpu.memory_space<vmem>>) semaphore(%arg15 : memref<!tpu.dma_semaphore, #tpu.memory_space<semaphore_mem>>)
      %dma_start3A_61 = arith.constant 2 : i32
      %dma_start3A_62 = arith.constant 0 : i32
      %dma_start3A_63 = tpu.memref_slice %arg6[%dma_start3A_61, %dma_start3A_62] : memref<16x80xi32, #tpu.memory_space<vmem>> -> memref<1x80xi32, #tpu.memory_space<vmem>>
      %dma_start3A_64 = tpu.memref_squeeze %dma_start3A_63 : memref<1x80xi32, #tpu.memory_space<vmem>> -> memref<80xi32, #tpu.memory_space<vmem>>
      %dma_start3A_65 = arith.constant 0 : i32
      %dma_start3A_66 = arith.constant 0 : i32
      %dma_start3A_67 = tpu.memref_slice %arg4[%dma_start3A_65, %dma_start3A_66] : memref<20000x128xf32, #tpu.memory_space<hbm>> -> memref<20000x128xf32, #tpu.memory_space<hbm>>
      tpu.enqueue_indirect_dma source(%dma_start3A_67 : memref<20000x128xf32, #tpu.memory_space<hbm>>) target(%arg10 : memref<80x128xf32, #tpu.memory_space<vmem>>) offsets(%dma_start3A_64 : memref<80xi32, #tpu.memory_space<vmem>>) semaphore(%arg16 : memref<!tpu.dma_semaphore, #tpu.memory_space<semaphore_mem>>)
      %dma_start3A_68 = arith.constant 3 : i32
      %dma_start3A_69 = arith.constant 0 : i32
      %dma_start3A_70 = tpu.memref_slice %arg6[%dma_start3A_68, %dma_start3A_69] : memref<16x80xi32, #tpu.memory_space<vmem>> -> memref<1x80xi32, #tpu.memory_space<vmem>>
      %dma_start3A_71 = tpu.memref_squeeze %dma_start3A_70 : memref<1x80xi32, #tpu.memory_space<vmem>> -> memref<80xi32, #tpu.memory_space<vmem>>
      %dma_start3A_72 = arith.constant 0 : i32
      %dma_start3A_73 = arith.constant 0 : i32
      %dma_start3A_74 = tpu.memref_slice %arg4[%dma_start3A_72, %dma_start3A_73] : memref<20000x128xf32, #tpu.memory_space<hbm>> -> memref<20000x128xf32, #tpu.memory_space<hbm>>
      tpu.enqueue_indirect_dma source(%dma_start3A_74 : memref<20000x128xf32, #tpu.memory_space<hbm>>) target(%arg11 : memref<80x128xf32, #tpu.memory_space<vmem>>) offsets(%dma_start3A_71 : memref<80xi32, #tpu.memory_space<vmem>>) semaphore(%arg17 : memref<!tpu.dma_semaphore, #tpu.memory_space<semaphore_mem>>)
      %scan3A_75 = arith.constant 0 : i32
      %scan3A_76 = arith.constant 4 : i32
      %scan3A_77 = arith.addi %scan3A_75, %scan3A_76 : i32
      %scan3A_78 = arith.constant 1 : i32
      scf.for %scan3A_80 = %scan3A_75 to %scan3A_77 step %scan3A_78  : i32 {
        %mul3A_81 = arith.constant 1 : i32
        %mul3A_82 = arith.muli %scan3A_80, %mul3A_81 : i32
        %add3A_83 = arith.constant 0 : i32
        %add3A_84 = arith.addi %add3A_83, %mul3A_82 : i32
        %mul3A_85 = arith.constant 4 : i32
        %mul3A_86 = arith.muli %mul3A_85, %add3A_84 : i32
        %add3A_87 = arith.constant 0 : i32
        %add3A_88 = arith.addi %mul3A_86, %add3A_87 : i32
        %dma_wait3A = arith.constant 0 : i32
        %dma_wait3A_89 = tpu.memref_slice %arg6[%add3A_88, %dma_wait3A] : memref<16x80xi32, #tpu.memory_space<vmem>> -> memref<1x80xi32, #tpu.memory_space<vmem>>
        %dma_wait3A_90 = tpu.memref_squeeze %dma_wait3A_89 : memref<1x80xi32, #tpu.memory_space<vmem>> -> memref<80xi32, #tpu.memory_space<vmem>>
        %dma_wait3A_91 = arith.constant 0 : i32
        %dma_wait3A_92 = arith.constant 0 : i32
        %dma_wait3A_93 = tpu.memref_slice %arg4[%dma_wait3A_91, %dma_wait3A_92] : memref<20000x128xf32, #tpu.memory_space<hbm>> -> memref<20000x128xf32, #tpu.memory_space<hbm>>
        tpu.wait_indirect_dma semaphore(%arg14 : memref<!tpu.dma_semaphore, #tpu.memory_space<semaphore_mem>>) src(%dma_wait3A_93 : memref<20000x128xf32, #tpu.memory_space<hbm>>) dst(%arg8 : memref<80x128xf32, #tpu.memory_space<vmem>>)
        "tpu.region"() ({
          %run_scoped3A = tpu.sem_alloc : memref<!tpu.dma_semaphore, #tpu.memory_space<semaphore_mem>>
          %dma_start3A_143 = arith.constant 0 : i32
          %dma_start3A_144 = tpu.memref_slice %arg7[%add3A_88, %dma_start3A_143] : memref<16x80xi32, #tpu.memory_space<vmem>> -> memref<1x80xi32, #tpu.memory_space<vmem>>
          %dma_start3A_145 = tpu.memref_squeeze %dma_start3A_144 : memref<1x80xi32, #tpu.memory_space<vmem>> -> memref<80xi32, #tpu.memory_space<vmem>>
          %dma_start3A_146 = arith.constant 0 : i32
          %dma_start3A_147 = arith.constant 0 : i32
          %dma_start3A_148 = tpu.memref_slice %arg13[%dma_start3A_146, %dma_start3A_147] : memref<10016x128xf32, #tpu.memory_space<vmem_shared>> -> memref<10016x128xf32, #tpu.memory_space<vmem_shared>>
          tpu.enqueue_indirect_dma source(%arg8 : memref<80x128xf32, #tpu.memory_space<vmem>>) target(%dma_start3A_148 : memref<10016x128xf32, #tpu.memory_space<vmem_shared>>) offsets(%dma_start3A_145 : memref<80xi32, #tpu.memory_space<vmem>>) semaphore(%run_scoped3A : memref<!tpu.dma_semaphore, #tpu.memory_space<semaphore_mem>>) {add = true}
          %dma_wait3A_149 = arith.constant 0 : i32
          %dma_wait3A_150 = tpu.memref_slice %arg7[%add3A_88, %dma_wait3A_149] : memref<16x80xi32, #tpu.memory_space<vmem>> -> memref<1x80xi32, #tpu.memory_space<vmem>>
          %dma_wait3A_151 = tpu.memref_squeeze %dma_wait3A_150 : memref<1x80xi32, #tpu.memory_space<vmem>> -> memref<80xi32, #tpu.memory_space<vmem>>
          %dma_wait3A_152 = arith.constant 0 : i32
          %dma_wait3A_153 = arith.constant 0 : i32
          %dma_wait3A_154 = tpu.memref_slice %arg13[%dma_wait3A_152, %dma_wait3A_153] : memref<10016x128xf32, #tpu.memory_space<vmem_shared>> -> memref<10016x128xf32, #tpu.memory_space<vmem_shared>>
          tpu.wait_indirect_dma semaphore(%run_scoped3A : memref<!tpu.dma_semaphore, #tpu.memory_space<semaphore_mem>>) src(%arg8 : memref<80x128xf32, #tpu.memory_space<vmem>>) dst(%dma_wait3A_154 : memref<10016x128xf32, #tpu.memory_space<vmem_shared>>)
          tpu.yield
        }) : () -> ()
        %add3A_94 = arith.constant 4 : i32
        %add3A_95 = arith.addi %add3A_88, %add3A_94 : i32
        %lt3A = arith.constant 16 : i32
        %lt3A_96 = arith.cmpi slt, %add3A_95, %lt3A : i32
        %convert_element_type3A = arith.extui %lt3A_96 : i1 to i32
        %cond3A = arith.constant 0 : i32
        %cond3A_97 = arith.cmpi ne, %convert_element_type3A, %cond3A : i32
        scf.if %cond3A_97 {
          %add3A_143 = arith.constant 4 : i32
          %add3A_144 = arith.addi %add3A_88, %add3A_143 : i32
          %dma_start3A_145 = arith.constant 0 : i32
          %dma_start3A_146 = tpu.memref_slice %arg6[%add3A_144, %dma_start3A_145] : memref<16x80xi32, #tpu.memory_space<vmem>> -> memref<1x80xi32, #tpu.memory_space<vmem>>
          %dma_start3A_147 = tpu.memref_squeeze %dma_start3A_146 : memref<1x80xi32, #tpu.memory_space<vmem>> -> memref<80xi32, #tpu.memory_space<vmem>>
          %dma_start3A_148 = arith.constant 0 : i32
          %dma_start3A_149 = arith.constant 0 : i32
          %dma_start3A_150 = tpu.memref_slice %arg4[%dma_start3A_148, %dma_start3A_149] : memref<20000x128xf32, #tpu.memory_space<hbm>> -> memref<20000x128xf32, #tpu.memory_space<hbm>>
          tpu.enqueue_indirect_dma source(%dma_start3A_150 : memref<20000x128xf32, #tpu.memory_space<hbm>>) target(%arg8 : memref<80x128xf32, #tpu.memory_space<vmem>>) offsets(%dma_start3A_147 : memref<80xi32, #tpu.memory_space<vmem>>) semaphore(%arg14 : memref<!tpu.dma_semaphore, #tpu.memory_space<semaphore_mem>>)
        } else {
        }
        %add3A_98 = arith.constant 1 : i32
        %add3A_99 = arith.addi %mul3A_86, %add3A_98 : i32
        %dma_wait3A_100 = arith.constant 0 : i32
        %dma_wait3A_101 = tpu.memref_slice %arg6[%add3A_99, %dma_wait3A_100] : memref<16x80xi32, #tpu.memory_space<vmem>> -> memref<1x80xi32, #tpu.memory_space<vmem>>
        %dma_wait3A_102 = tpu.memref_squeeze %dma_wait3A_101 : memref<1x80xi32, #tpu.memory_space<vmem>> -> memref<80xi32, #tpu.memory_space<vmem>>
        %dma_wait3A_103 = arith.constant 0 : i32
        %dma_wait3A_104 = arith.constant 0 : i32
        %dma_wait3A_105 = tpu.memref_slice %arg4[%dma_wait3A_103, %dma_wait3A_104] : memref<20000x128xf32, #tpu.memory_space<hbm>> -> memref<20000x128xf32, #tpu.memory_space<hbm>>
        tpu.wait_indirect_dma semaphore(%arg15 : memref<!tpu.dma_semaphore, #tpu.memory_space<semaphore_mem>>) src(%dma_wait3A_105 : memref<20000x128xf32, #tpu.memory_space<hbm>>) dst(%arg9 : memref<80x128xf32, #tpu.memory_space<vmem>>)
        "tpu.region"() ({
          %run_scoped3A = tpu.sem_alloc : memref<!tpu.dma_semaphore, #tpu.memory_space<semaphore_mem>>
          %dma_start3A_143 = arith.constant 0 : i32
          %dma_start3A_144 = tpu.memref_slice %arg7[%add3A_99, %dma_start3A_143] : memref<16x80xi32, #tpu.memory_space<vmem>> -> memref<1x80xi32, #tpu.memory_space<vmem>>
          %dma_start3A_145 = tpu.memref_squeeze %dma_start3A_144 : memref<1x80xi32, #tpu.memory_space<vmem>> -> memref<80xi32, #tpu.memory_space<vmem>>
          %dma_start3A_146 = arith.constant 0 : i32
          %dma_start3A_147 = arith.constant 0 : i32
          %dma_start3A_148 = tpu.memref_slice %arg13[%dma_start3A_146, %dma_start3A_147] : memref<10016x128xf32, #tpu.memory_space<vmem_shared>> -> memref<10016x128xf32, #tpu.memory_space<vmem_shared>>
          tpu.enqueue_indirect_dma source(%arg9 : memref<80x128xf32, #tpu.memory_space<vmem>>) target(%dma_start3A_148 : memref<10016x128xf32, #tpu.memory_space<vmem_shared>>) offsets(%dma_start3A_145 : memref<80xi32, #tpu.memory_space<vmem>>) semaphore(%run_scoped3A : memref<!tpu.dma_semaphore, #tpu.memory_space<semaphore_mem>>) {add = true}
          %dma_wait3A_149 = arith.constant 0 : i32
          %dma_wait3A_150 = tpu.memref_slice %arg7[%add3A_99, %dma_wait3A_149] : memref<16x80xi32, #tpu.memory_space<vmem>> -> memref<1x80xi32, #tpu.memory_space<vmem>>
          %dma_wait3A_151 = tpu.memref_squeeze %dma_wait3A_150 : memref<1x80xi32, #tpu.memory_space<vmem>> -> memref<80xi32, #tpu.memory_space<vmem>>
          %dma_wait3A_152 = arith.constant 0 : i32
          %dma_wait3A_153 = arith.constant 0 : i32
          %dma_wait3A_154 = tpu.memref_slice %arg13[%dma_wait3A_152, %dma_wait3A_153] : memref<10016x128xf32, #tpu.memory_space<vmem_shared>> -> memref<10016x128xf32, #tpu.memory_space<vmem_shared>>
          tpu.wait_indirect_dma semaphore(%run_scoped3A : memref<!tpu.dma_semaphore, #tpu.memory_space<semaphore_mem>>) src(%arg9 : memref<80x128xf32, #tpu.memory_space<vmem>>) dst(%dma_wait3A_154 : memref<10016x128xf32, #tpu.memory_space<vmem_shared>>)
          tpu.yield
        }) : () -> ()
        %add3A_106 = arith.constant 4 : i32
        %add3A_107 = arith.addi %add3A_99, %add3A_106 : i32
        %lt3A_108 = arith.constant 16 : i32
        %lt3A_109 = arith.cmpi slt, %add3A_107, %lt3A_108 : i32
        %convert_element_type3A_110 = arith.extui %lt3A_109 : i1 to i32
        %cond3A_111 = arith.constant 0 : i32
        %cond3A_112 = arith.cmpi ne, %convert_element_type3A_110, %cond3A_111 : i32
        scf.if %cond3A_112 {
          %add3A_143 = arith.constant 4 : i32
          %add3A_144 = arith.addi %add3A_99, %add3A_143 : i32
          %dma_start3A_145 = arith.constant 0 : i32
          %dma_start3A_146 = tpu.memref_slice %arg6[%add3A_144, %dma_start3A_145] : memref<16x80xi32, #tpu.memory_space<vmem>> -> memref<1x80xi32, #tpu.memory_space<vmem>>
          %dma_start3A_147 = tpu.memref_squeeze %dma_start3A_146 : memref<1x80xi32, #tpu.memory_space<vmem>> -> memref<80xi32, #tpu.memory_space<vmem>>
          %dma_start3A_148 = arith.constant 0 : i32
          %dma_start3A_149 = arith.constant 0 : i32
          %dma_start3A_150 = tpu.memref_slice %arg4[%dma_start3A_148, %dma_start3A_149] : memref<20000x128xf32, #tpu.memory_space<hbm>> -> memref<20000x128xf32, #tpu.memory_space<hbm>>
          tpu.enqueue_indirect_dma source(%dma_start3A_150 : memref<20000x128xf32, #tpu.memory_space<hbm>>) target(%arg9 : memref<80x128xf32, #tpu.memory_space<vmem>>) offsets(%dma_start3A_147 : memref<80xi32, #tpu.memory_space<vmem>>) semaphore(%arg15 : memref<!tpu.dma_semaphore, #tpu.memory_space<semaphore_mem>>)
        } else {
        }
        %add3A_113 = arith.constant 2 : i32
        %add3A_114 = arith.addi %mul3A_86, %add3A_113 : i32
        %dma_wait3A_115 = arith.constant 0 : i32
        %dma_wait3A_116 = tpu.memref_slice %arg6[%add3A_114, %dma_wait3A_115] : memref<16x80xi32, #tpu.memory_space<vmem>> -> memref<1x80xi32, #tpu.memory_space<vmem>>
        %dma_wait3A_117 = tpu.memref_squeeze %dma_wait3A_116 : memref<1x80xi32, #tpu.memory_space<vmem>> -> memref<80xi32, #tpu.memory_space<vmem>>
        %dma_wait3A_118 = arith.constant 0 : i32
        %dma_wait3A_119 = arith.constant 0 : i32
        %dma_wait3A_120 = tpu.memref_slice %arg4[%dma_wait3A_118, %dma_wait3A_119] : memref<20000x128xf32, #tpu.memory_space<hbm>> -> memref<20000x128xf32, #tpu.memory_space<hbm>>
        tpu.wait_indirect_dma semaphore(%arg16 : memref<!tpu.dma_semaphore, #tpu.memory_space<semaphore_mem>>) src(%dma_wait3A_120 : memref<20000x128xf32, #tpu.memory_space<hbm>>) dst(%arg10 : memref<80x128xf32, #tpu.memory_space<vmem>>)
        "tpu.region"() ({
          %run_scoped3A = tpu.sem_alloc : memref<!tpu.dma_semaphore, #tpu.memory_space<semaphore_mem>>
          %dma_start3A_143 = arith.constant 0 : i32
          %dma_start3A_144 = tpu.memref_slice %arg7[%add3A_114, %dma_start3A_143] : memref<16x80xi32, #tpu.memory_space<vmem>> -> memref<1x80xi32, #tpu.memory_space<vmem>>
          %dma_start3A_145 = tpu.memref_squeeze %dma_start3A_144 : memref<1x80xi32, #tpu.memory_space<vmem>> -> memref<80xi32, #tpu.memory_space<vmem>>
          %dma_start3A_146 = arith.constant 0 : i32
          %dma_start3A_147 = arith.constant 0 : i32
          %dma_start3A_148 = tpu.memref_slice %arg13[%dma_start3A_146, %dma_start3A_147] : memref<10016x128xf32, #tpu.memory_space<vmem_shared>> -> memref<10016x128xf32, #tpu.memory_space<vmem_shared>>
          tpu.enqueue_indirect_dma source(%arg10 : memref<80x128xf32, #tpu.memory_space<vmem>>) target(%dma_start3A_148 : memref<10016x128xf32, #tpu.memory_space<vmem_shared>>) offsets(%dma_start3A_145 : memref<80xi32, #tpu.memory_space<vmem>>) semaphore(%run_scoped3A : memref<!tpu.dma_semaphore, #tpu.memory_space<semaphore_mem>>) {add = true}
          %dma_wait3A_149 = arith.constant 0 : i32
          %dma_wait3A_150 = tpu.memref_slice %arg7[%add3A_114, %dma_wait3A_149] : memref<16x80xi32, #tpu.memory_space<vmem>> -> memref<1x80xi32, #tpu.memory_space<vmem>>
          %dma_wait3A_151 = tpu.memref_squeeze %dma_wait3A_150 : memref<1x80xi32, #tpu.memory_space<vmem>> -> memref<80xi32, #tpu.memory_space<vmem>>
          %dma_wait3A_152 = arith.constant 0 : i32
          %dma_wait3A_153 = arith.constant 0 : i32
          %dma_wait3A_154 = tpu.memref_slice %arg13[%dma_wait3A_152, %dma_wait3A_153] : memref<10016x128xf32, #tpu.memory_space<vmem_shared>> -> memref<10016x128xf32, #tpu.memory_space<vmem_shared>>
          tpu.wait_indirect_dma semaphore(%run_scoped3A : memref<!tpu.dma_semaphore, #tpu.memory_space<semaphore_mem>>) src(%arg10 : memref<80x128xf32, #tpu.memory_space<vmem>>) dst(%dma_wait3A_154 : memref<10016x128xf32, #tpu.memory_space<vmem_shared>>)
          tpu.yield
        }) : () -> ()
        %add3A_121 = arith.constant 4 : i32
        %add3A_122 = arith.addi %add3A_114, %add3A_121 : i32
        %lt3A_123 = arith.constant 16 : i32
        %lt3A_124 = arith.cmpi slt, %add3A_122, %lt3A_123 : i32
        %convert_element_type3A_125 = arith.extui %lt3A_124 : i1 to i32
        %cond3A_126 = arith.constant 0 : i32
        %cond3A_127 = arith.cmpi ne, %convert_element_type3A_125, %cond3A_126 : i32
        scf.if %cond3A_127 {
          %add3A_143 = arith.constant 4 : i32
          %add3A_144 = arith.addi %add3A_114, %add3A_143 : i32
          %dma_start3A_145 = arith.constant 0 : i32
          %dma_start3A_146 = tpu.memref_slice %arg6[%add3A_144, %dma_start3A_145] : memref<16x80xi32, #tpu.memory_space<vmem>> -> memref<1x80xi32, #tpu.memory_space<vmem>>
          %dma_start3A_147 = tpu.memref_squeeze %dma_start3A_146 : memref<1x80xi32, #tpu.memory_space<vmem>> -> memref<80xi32, #tpu.memory_space<vmem>>
          %dma_start3A_148 = arith.constant 0 : i32
          %dma_start3A_149 = arith.constant 0 : i32
          %dma_start3A_150 = tpu.memref_slice %arg4[%dma_start3A_148, %dma_start3A_149] : memref<20000x128xf32, #tpu.memory_space<hbm>> -> memref<20000x128xf32, #tpu.memory_space<hbm>>
          tpu.enqueue_indirect_dma source(%dma_start3A_150 : memref<20000x128xf32, #tpu.memory_space<hbm>>) target(%arg10 : memref<80x128xf32, #tpu.memory_space<vmem>>) offsets(%dma_start3A_147 : memref<80xi32, #tpu.memory_space<vmem>>) semaphore(%arg16 : memref<!tpu.dma_semaphore, #tpu.memory_space<semaphore_mem>>)
        } else {
        }
        %add3A_128 = arith.constant 3 : i32
        %add3A_129 = arith.addi %mul3A_86, %add3A_128 : i32
        %dma_wait3A_130 = arith.constant 0 : i32
        %dma_wait3A_131 = tpu.memref_slice %arg6[%add3A_129, %dma_wait3A_130] : memref<16x80xi32, #tpu.memory_space<vmem>> -> memref<1x80xi32, #tpu.memory_space<vmem>>
        %dma_wait3A_132 = tpu.memref_squeeze %dma_wait3A_131 : memref<1x80xi32, #tpu.memory_space<vmem>> -> memref<80xi32, #tpu.memory_space<vmem>>
        %dma_wait3A_133 = arith.constant 0 : i32
        %dma_wait3A_134 = arith.constant 0 : i32
        %dma_wait3A_135 = tpu.memref_slice %arg4[%dma_wait3A_133, %dma_wait3A_134] : memref<20000x128xf32, #tpu.memory_space<hbm>> -> memref<20000x128xf32, #tpu.memory_space<hbm>>
        tpu.wait_indirect_dma semaphore(%arg17 : memref<!tpu.dma_semaphore, #tpu.memory_space<semaphore_mem>>) src(%dma_wait3A_135 : memref<20000x128xf32, #tpu.memory_space<hbm>>) dst(%arg11 : memref<80x128xf32, #tpu.memory_space<vmem>>)
        "tpu.region"() ({
          %run_scoped3A = tpu.sem_alloc : memref<!tpu.dma_semaphore, #tpu.memory_space<semaphore_mem>>
          %dma_start3A_143 = arith.constant 0 : i32
          %dma_start3A_144 = tpu.memref_slice %arg7[%add3A_129, %dma_start3A_143] : memref<16x80xi32, #tpu.memory_space<vmem>> -> memref<1x80xi32, #tpu.memory_space<vmem>>
          %dma_start3A_145 = tpu.memref_squeeze %dma_start3A_144 : memref<1x80xi32, #tpu.memory_space<vmem>> -> memref<80xi32, #tpu.memory_space<vmem>>
          %dma_start3A_146 = arith.constant 0 : i32
          %dma_start3A_147 = arith.constant 0 : i32
          %dma_start3A_148 = tpu.memref_slice %arg13[%dma_start3A_146, %dma_start3A_147] : memref<10016x128xf32, #tpu.memory_space<vmem_shared>> -> memref<10016x128xf32, #tpu.memory_space<vmem_shared>>
          tpu.enqueue_indirect_dma source(%arg11 : memref<80x128xf32, #tpu.memory_space<vmem>>) target(%dma_start3A_148 : memref<10016x128xf32, #tpu.memory_space<vmem_shared>>) offsets(%dma_start3A_145 : memref<80xi32, #tpu.memory_space<vmem>>) semaphore(%run_scoped3A : memref<!tpu.dma_semaphore, #tpu.memory_space<semaphore_mem>>) {add = true}
          %dma_wait3A_149 = arith.constant 0 : i32
          %dma_wait3A_150 = tpu.memref_slice %arg7[%add3A_129, %dma_wait3A_149] : memref<16x80xi32, #tpu.memory_space<vmem>> -> memref<1x80xi32, #tpu.memory_space<vmem>>
          %dma_wait3A_151 = tpu.memref_squeeze %dma_wait3A_150 : memref<1x80xi32, #tpu.memory_space<vmem>> -> memref<80xi32, #tpu.memory_space<vmem>>
          %dma_wait3A_152 = arith.constant 0 : i32
          %dma_wait3A_153 = arith.constant 0 : i32
          %dma_wait3A_154 = tpu.memref_slice %arg13[%dma_wait3A_152, %dma_wait3A_153] : memref<10016x128xf32, #tpu.memory_space<vmem_shared>> -> memref<10016x128xf32, #tpu.memory_space<vmem_shared>>
          tpu.wait_indirect_dma semaphore(%run_scoped3A : memref<!tpu.dma_semaphore, #tpu.memory_space<semaphore_mem>>) src(%arg11 : memref<80x128xf32, #tpu.memory_space<vmem>>) dst(%dma_wait3A_154 : memref<10016x128xf32, #tpu.memory_space<vmem_shared>>)
          tpu.yield
        }) : () -> ()
        %add3A_136 = arith.constant 4 : i32
        %add3A_137 = arith.addi %add3A_129, %add3A_136 : i32
        %lt3A_138 = arith.constant 16 : i32
        %lt3A_139 = arith.cmpi slt, %add3A_137, %lt3A_138 : i32
        %convert_element_type3A_140 = arith.extui %lt3A_139 : i1 to i32
        %cond3A_141 = arith.constant 0 : i32
        %cond3A_142 = arith.cmpi ne, %convert_element_type3A_140, %cond3A_141 : i32
        scf.if %cond3A_142 {
          %add3A_143 = arith.constant 4 : i32
          %add3A_144 = arith.addi %add3A_129, %add3A_143 : i32
          %dma_start3A_145 = arith.constant 0 : i32
          %dma_start3A_146 = tpu.memref_slice %arg6[%add3A_144, %dma_start3A_145] : memref<16x80xi32, #tpu.memory_space<vmem>> -> memref<1x80xi32, #tpu.memory_space<vmem>>
          %dma_start3A_147 = tpu.memref_squeeze %dma_start3A_146 : memref<1x80xi32, #tpu.memory_space<vmem>> -> memref<80xi32, #tpu.memory_space<vmem>>
          %dma_start3A_148 = arith.constant 0 : i32
          %dma_start3A_149 = arith.constant 0 : i32
          %dma_start3A_150 = tpu.memref_slice %arg4[%dma_start3A_148, %dma_start3A_149] : memref<20000x128xf32, #tpu.memory_space<hbm>> -> memref<20000x128xf32, #tpu.memory_space<hbm>>
          tpu.enqueue_indirect_dma source(%dma_start3A_150 : memref<20000x128xf32, #tpu.memory_space<hbm>>) target(%arg11 : memref<80x128xf32, #tpu.memory_space<vmem>>) offsets(%dma_start3A_147 : memref<80xi32, #tpu.memory_space<vmem>>) semaphore(%arg17 : memref<!tpu.dma_semaphore, #tpu.memory_space<semaphore_mem>>)
        } else {
        }
      }
      %scan3A_79 = arith.constant 4 : i32
    }
    %scan3A_22 = arith.constant 8 : i32
    %barrier3A_23 = arith.constant 0 : index
    tpu.barrier barrier_id(%barrier3A_23)
    %sub3A_24 = arith.constant 625 : i32
    %sub3A_25 = arith.subi %sub3A_24, %arg1 : i32
    %sub3A_26 = arith.constant 16 : i32
    %sub3A_27 = arith.constant 1 : i32
    %sub3A_28 = arith.subi %sub3A_26, %sub3A_27 : i32
    %add3A_29 = arith.addi %sub3A_25, %sub3A_28 : i32
    %div3A_30 = arith.constant 16 : i32
    %div3A_31 = arith.divsi %add3A_29, %div3A_30 : i32
    %while3A_32 = arith.constant 16 : i32
    %while3A_33 = arith.constant 0 : i32
    %while3A_34 = arith.subi %div3A_31, %while3A_33 : i32
    %while3A_35 = arith.addi %while3A_33, %while3A_34 : i32
    %while3A_36 = arith.constant 1 : i32
    %while3A_37 = arith.divsi %while3A_34, %while3A_36 : i32
    %while3A_38 = arith.muli %while3A_37, %while3A_36 : i32
    %while3A_39 = arith.addi %while3A_33, %while3A_38 : i32
    %while3A_40 = arith.constant 1 : i32
    scf.for %while3A_42 = %while3A_33 to %while3A_39 step %while3A_40  : i32 {
      %mul3A = arith.muli %while3A_42, %while3A_32 : i32
      %add3A_43 = arith.addi %arg1, %mul3A : i32
      %mul3A_44 = arith.constant 16 : i32
      %mul3A_45 = arith.muli %add3A_43, %mul3A_44 : i32
      "tpu.region"() ({
        %run_scoped3A = tpu.sem_alloc : memref<!tpu.dma_semaphore, #tpu.memory_space<semaphore_mem>>
        %dma_start3A = arith.constant 0 : i32
        %dma_start3A_48 = tpu.memref_slice %arg13[%mul3A_45, %dma_start3A] : memref<10016x128xf32, #tpu.memory_space<vmem_shared>> -> memref<16x128xf32, #tpu.memory_space<vmem_shared>>
        %dma_start3A_49 = arith.constant 0 : i32
        %dma_start3A_50 = tpu.memref_slice %arg13[%mul3A_45, %dma_start3A_49] : memref<10016x128xf32, #tpu.memory_space<vmem_shared>> -> memref<16x128xf32, #tpu.memory_space<vmem_shared>>
        tpu.enqueue_dma source(%dma_start3A_50 : memref<16x128xf32, #tpu.memory_space<vmem_shared>>) target(%arg12 : memref<16x128xf32, #tpu.memory_space<vmem>>) target_semaphore(%run_scoped3A : memref<!tpu.dma_semaphore, #tpu.memory_space<semaphore_mem>>)
        %dma_wait3A = arith.constant 0 : i32
        %dma_wait3A_51 = tpu.memref_slice %arg13[%mul3A_45, %dma_wait3A] : memref<10016x128xf32, #tpu.memory_space<vmem_shared>> -> memref<16x128xf32, #tpu.memory_space<vmem_shared>>
        %dma_wait3A_52 = arith.constant 0 : i32
        %dma_wait3A_53 = tpu.memref_slice %arg13[%mul3A_45, %dma_wait3A_52] : memref<10016x128xf32, #tpu.memory_space<vmem_shared>> -> memref<16x128xf32, #tpu.memory_space<vmem_shared>>
        tpu.wait_dma2 semaphore(%run_scoped3A : memref<!tpu.dma_semaphore, #tpu.memory_space<semaphore_mem>>) src(%dma_wait3A_53 : memref<16x128xf32, #tpu.memory_space<vmem_shared>>) dst(%arg12 : memref<16x128xf32, #tpu.memory_space<vmem>>)
        tpu.yield
      }) : () -> ()
      %mul3A_46 = arith.constant 16 : i32
      %mul3A_47 = arith.muli %add3A_43, %mul3A_46 : i32
      "tpu.region"() ({
        %run_scoped3A = tpu.sem_alloc : memref<!tpu.dma_semaphore, #tpu.memory_space<semaphore_mem>>
        %dma_start3A = arith.constant 0 : i32
        %dma_start3A_48 = tpu.memref_slice %arg5[%arg0, %mul3A_47, %dma_start3A] : memref<2x10000x128xf32, #tpu.memory_space<hbm>> -> memref<1x16x128xf32, #tpu.memory_space<hbm>>
        %dma_start3A_49 = tpu.memref_squeeze %dma_start3A_48 : memref<1x16x128xf32, #tpu.memory_space<hbm>> -> memref<16x128xf32, #tpu.memory_space<hbm>>
        %dma_start3A_50 = arith.constant 0 : i32
        %dma_start3A_51 = tpu.memref_slice %arg5[%arg0, %mul3A_47, %dma_start3A_50] : memref<2x10000x128xf32, #tpu.memory_space<hbm>> -> memref<1x16x128xf32, #tpu.memory_space<hbm>>
        %dma_start3A_52 = tpu.memref_squeeze %dma_start3A_51 : memref<1x16x128xf32, #tpu.memory_space<hbm>> -> memref<16x128xf32, #tpu.memory_space<hbm>>
        tpu.enqueue_dma source(%arg12 : memref<16x128xf32, #tpu.memory_space<vmem>>) target(%dma_start3A_52 : memref<16x128xf32, #tpu.memory_space<hbm>>) target_semaphore(%run_scoped3A : memref<!tpu.dma_semaphore, #tpu.memory_space<semaphore_mem>>)
        %dma_wait3A = arith.constant 0 : i32
        %dma_wait3A_53 = tpu.memref_slice %arg5[%arg0, %mul3A_47, %dma_wait3A] : memref<2x10000x128xf32, #tpu.memory_space<hbm>> -> memref<1x16x128xf32, #tpu.memory_space<hbm>>
        %dma_wait3A_54 = tpu.memref_squeeze %dma_wait3A_53 : memref<1x16x128xf32, #tpu.memory_space<hbm>> -> memref<16x128xf32, #tpu.memory_space<hbm>>
        %dma_wait3A_55 = arith.constant 0 : i32
        %dma_wait3A_56 = tpu.memref_slice %arg5[%arg0, %mul3A_47, %dma_wait3A_55] : memref<2x10000x128xf32, #tpu.memory_space<hbm>> -> memref<1x16x128xf32, #tpu.memory_space<hbm>>
        %dma_wait3A_57 = tpu.memref_squeeze %dma_wait3A_56 : memref<1x16x128xf32, #tpu.memory_space<hbm>> -> memref<16x128xf32, #tpu.memory_space<hbm>>
        tpu.wait_dma2 semaphore(%run_scoped3A : memref<!tpu.dma_semaphore, #tpu.memory_space<semaphore_mem>>) src(%arg12 : memref<16x128xf32, #tpu.memory_space<vmem>>) dst(%dma_wait3A_57 : memref<16x128xf32, #tpu.memory_space<hbm>>)
        tpu.yield
      }) : () -> ()
    }
    %while3A_41 = arith.constant 1 : i32
    scf.for %while3A_42 = %while3A_39 to %while3A_35 step %while3A_41  : i32 {
      %mul3A = arith.muli %while3A_42, %while3A_32 : i32
      %add3A_43 = arith.addi %arg1, %mul3A : i32
      %mul3A_44 = arith.constant 16 : i32
      %mul3A_45 = arith.muli %add3A_43, %mul3A_44 : i32
      "tpu.region"() ({
        %run_scoped3A = tpu.sem_alloc : memref<!tpu.dma_semaphore, #tpu.memory_space<semaphore_mem>>
        %dma_start3A = arith.constant 0 : i32
        %dma_start3A_48 = tpu.memref_slice %arg13[%mul3A_45, %dma_start3A] : memref<10016x128xf32, #tpu.memory_space<vmem_shared>> -> memref<16x128xf32, #tpu.memory_space<vmem_shared>>
        %dma_start3A_49 = arith.constant 0 : i32
        %dma_start3A_50 = tpu.memref_slice %arg13[%mul3A_45, %dma_start3A_49] : memref<10016x128xf32, #tpu.memory_space<vmem_shared>> -> memref<16x128xf32, #tpu.memory_space<vmem_shared>>
        tpu.enqueue_dma source(%dma_start3A_50 : memref<16x128xf32, #tpu.memory_space<vmem_shared>>) target(%arg12 : memref<16x128xf32, #tpu.memory_space<vmem>>) target_semaphore(%run_scoped3A : memref<!tpu.dma_semaphore, #tpu.memory_space<semaphore_mem>>)
        %dma_wait3A = arith.constant 0 : i32
        %dma_wait3A_51 = tpu.memref_slice %arg13[%mul3A_45, %dma_wait3A] : memref<10016x128xf32, #tpu.memory_space<vmem_shared>> -> memref<16x128xf32, #tpu.memory_space<vmem_shared>>
        %dma_wait3A_52 = arith.constant 0 : i32
        %dma_wait3A_53 = tpu.memref_slice %arg13[%mul3A_45, %dma_wait3A_52] : memref<10016x128xf32, #tpu.memory_space<vmem_shared>> -> memref<16x128xf32, #tpu.memory_space<vmem_shared>>
        tpu.wait_dma2 semaphore(%run_scoped3A : memref<!tpu.dma_semaphore, #tpu.memory_space<semaphore_mem>>) src(%dma_wait3A_53 : memref<16x128xf32, #tpu.memory_space<vmem_shared>>) dst(%arg12 : memref<16x128xf32, #tpu.memory_space<vmem>>)
        tpu.yield
      }) : () -> ()
      %mul3A_46 = arith.constant 16 : i32
      %mul3A_47 = arith.muli %add3A_43, %mul3A_46 : i32
      "tpu.region"() ({
        %run_scoped3A = tpu.sem_alloc : memref<!tpu.dma_semaphore, #tpu.memory_space<semaphore_mem>>
        %dma_start3A = arith.constant 0 : i32
        %dma_start3A_48 = tpu.memref_slice %arg5[%arg0, %mul3A_47, %dma_start3A] : memref<2x10000x128xf32, #tpu.memory_space<hbm>> -> memref<1x16x128xf32, #tpu.memory_space<hbm>>
        %dma_start3A_49 = tpu.memref_squeeze %dma_start3A_48 : memref<1x16x128xf32, #tpu.memory_space<hbm>> -> memref<16x128xf32, #tpu.memory_space<hbm>>
        %dma_start3A_50 = arith.constant 0 : i32
        %dma_start3A_51 = tpu.memref_slice %arg5[%arg0, %mul3A_47, %dma_start3A_50] : memref<2x10000x128xf32, #tpu.memory_space<hbm>> -> memref<1x16x128xf32, #tpu.memory_space<hbm>>
        %dma_start3A_52 = tpu.memref_squeeze %dma_start3A_51 : memref<1x16x128xf32, #tpu.memory_space<hbm>> -> memref<16x128xf32, #tpu.memory_space<hbm>>
        tpu.enqueue_dma source(%arg12 : memref<16x128xf32, #tpu.memory_space<vmem>>) target(%dma_start3A_52 : memref<16x128xf32, #tpu.memory_space<hbm>>) target_semaphore(%run_scoped3A : memref<!tpu.dma_semaphore, #tpu.memory_space<semaphore_mem>>)
        %dma_wait3A = arith.constant 0 : i32
        %dma_wait3A_53 = tpu.memref_slice %arg5[%arg0, %mul3A_47, %dma_wait3A] : memref<2x10000x128xf32, #tpu.memory_space<hbm>> -> memref<1x16x128xf32, #tpu.memory_space<hbm>>
        %dma_wait3A_54 = tpu.memref_squeeze %dma_wait3A_53 : memref<1x16x128xf32, #tpu.memory_space<hbm>> -> memref<16x128xf32, #tpu.memory_space<hbm>>
        %dma_wait3A_55 = arith.constant 0 : i32
        %dma_wait3A_56 = tpu.memref_slice %arg5[%arg0, %mul3A_47, %dma_wait3A_55] : memref<2x10000x128xf32, #tpu.memory_space<hbm>> -> memref<1x16x128xf32, #tpu.memory_space<hbm>>
        %dma_wait3A_57 = tpu.memref_squeeze %dma_wait3A_56 : memref<1x16x128xf32, #tpu.memory_space<hbm>> -> memref<16x128xf32, #tpu.memory_space<hbm>>
        tpu.wait_dma2 semaphore(%run_scoped3A : memref<!tpu.dma_semaphore, #tpu.memory_space<semaphore_mem>>) src(%arg12 : memref<16x128xf32, #tpu.memory_space<vmem>>) dst(%dma_wait3A_57 : memref<16x128xf32, #tpu.memory_space<hbm>>)
        tpu.yield
      }) : () -> ()
    }
    return
  }
}

module attributes {stable_mosaic.version = 14 : i64} {
  func.func @_matmul_body(%arg0: i32, %arg1: memref<1000x256xf32, #tpu.memory_space<vmem>>, %arg2: memref<256x256xf32, #tpu.memory_space<vmem>>, %arg3: memref<1000x1xf32, #tpu.memory_space<vmem>>, %arg4: memref<1000x2x128xf32, #tpu.memory_space<vmem>>) attributes {dimension_semantics = [#tpu.dimension_semantics<arbitrary>], iteration_bounds = array<i64: 10>, scalar_prefetch = 0 : i64, scratch_operands = 0 : i64, tpu.core_type = #tpu.core_type<tc>, window_params = [{transform_indices = @transform_0, window_bounds = array<i64: 1000, 256>}, {pipeline_mode = #tpu.pipeline_mode<synchronous>, transform_indices = @transform_1, window_bounds = array<i64: 256, 256>}, {transform_indices = @transform_2, window_bounds = array<i64: 1000, 1>}, {transform_indices = @transform_3, window_bounds = array<i64: 1000, 2, 128>}]} {
    %get3A = arith.constant 0 : index
    %get3A_0 = arith.constant 0 : index
    %get3A_1 = vector.load %arg3[%get3A, %get3A_0] : memref<1000x1xf32, #tpu.memory_space<vmem>>, vector<1000x1xf32>
    %max3A = arith.constant 1.000000e+00 : f32
    %max3A_2 = vector.broadcast %max3A : f32 to vector<1000x1xf32>
    %max3A_3 = arith.maximumf %get3A_1, %max3A_2 : vector<1000x1xf32>
    %rsqrt3A = math.rsqrt %max3A_3 : vector<1000x1xf32>
    %get3A_4 = arith.constant 0 : index
    %get3A_5 = arith.constant 0 : index
    %get3A_6 = vector.load %arg1[%get3A_4, %get3A_5] : memref<1000x256xf32, #tpu.memory_space<vmem>>, vector<1000x256xf32>
    %get3A_7 = arith.constant 0 : index
    %get3A_8 = arith.constant 0 : index
    %get3A_9 = vector.load %arg2[%get3A_7, %get3A_8] : memref<256x256xf32, #tpu.memory_space<vmem>>, vector<256x256xf32>
    %dot_general3A = arith.constant dense<0.000000e+00> : vector<1000x256xf32>
    %dot_general3A_10 = tpu.matmul %get3A_6, %get3A_9, %dot_general3A {dimension_numbers = #tpu.dot_dimension_numbers<[1], [0], [0], [1], [0, 0, 1, 1], [], []>, transpose_lhs_hint = false} : vector<1000x256xf32>, vector<256x256xf32>, vector<1000x256xf32> -> vector<1000x256xf32>
    %mul3A = vector.broadcast %rsqrt3A : vector<1000x1xf32> to vector<1000x256xf32>
    %mul3A_11 = arith.mulf %dot_general3A_10, %mul3A : vector<1000x256xf32>
    %reshape3A = vector.shape_cast %mul3A_11 : vector<1000x256xf32> to vector<1000x2x128xf32>
    %swap3A = arith.constant 0 : index
    %swap3A_12 = arith.constant 0 : index
    %swap3A_13 = arith.constant 0 : index
    %swap3A_14 = vector.load %arg4[%swap3A, %swap3A_12, %swap3A_13] : memref<1000x2x128xf32, #tpu.memory_space<vmem>>, vector<1000x2x128xf32>
    tpu.vector_store %arg4[%swap3A, %swap3A_12, %swap3A_13], %reshape3A {strides = array<i32>} : memref<1000x2x128xf32, #tpu.memory_space<vmem>>, vector<1000x2x128xf32>,
    return
  }
  func.func @transform_0(%arg0: i32) -> (i32, i32) {
    %c0_i32 = arith.constant 0 : i32
    %c0_i32_0 = arith.constant 0 : i32
    return %arg0, %c0_i32 : i32, i32
  }
  func.func @transform_1(%arg0: i32) -> (i32, i32) {
    %c0_i32 = arith.constant 0 : i32
    %c0_i32_0 = arith.constant 0 : i32
    %c0_i32_1 = arith.constant 0 : i32
    return %c0_i32, %c0_i32_0 : i32, i32
  }
  func.func @transform_2(%arg0: i32) -> (i32, i32) {
    %c0_i32 = arith.constant 0 : i32
    %c0_i32_0 = arith.constant 0 : i32
    return %arg0, %c0_i32 : i32, i32
  }
  func.func @transform_3(%arg0: i32) -> (i32, i32, i32) {
    %c0_i32 = arith.constant 0 : i32
    %c0_i32_0 = arith.constant 0 : i32
    %c0_i32_1 = arith.constant 0 : i32
    return %arg0, %c0_i32, %c0_i32_0 : i32, i32, i32
  }
}

module attributes {stable_mosaic.version = 14 : i64} {
  func.func @_epilogue_body(%arg0: i32, %arg1: memref<2x1000x128xf32, #tpu.memory_space<vmem>>, %arg2: memref<1000x1xf32, #tpu.memory_space<vmem>>, %arg3: memref<1x256xf32, #tpu.memory_space<vmem>>, %arg4: memref<1x256xf32, #tpu.memory_space<vmem>>, %arg5: memref<1x256xf32, #tpu.memory_space<vmem>>, %arg6: memref<1000x256xf32, #tpu.memory_space<vmem>>) attributes {dimension_semantics = [#tpu.dimension_semantics<arbitrary>], iteration_bounds = array<i64: 10>, scalar_prefetch = 0 : i64, scratch_operands = 0 : i64, tpu.core_type = #tpu.core_type<tc>, window_params = [{transform_indices = @transform_0, window_bounds = array<i64: 2, 1000, 128>}, {transform_indices = @transform_1, window_bounds = array<i64: 1000, 1>}, {pipeline_mode = #tpu.pipeline_mode<synchronous>, transform_indices = @transform_2, window_bounds = array<i64: 1, 256>}, {pipeline_mode = #tpu.pipeline_mode<synchronous>, transform_indices = @transform_3, window_bounds = array<i64: 1, 256>}, {pipeline_mode = #tpu.pipeline_mode<synchronous>, transform_indices = @transform_4, window_bounds = array<i64: 1, 256>}, {transform_indices = @transform_5, window_bounds = array<i64: 1000, 256>}]} {
    %get3A = arith.constant 0 : index
    %get3A_0 = arith.constant 0 : index
    %get3A_1 = vector.load %arg2[%get3A, %get3A_0] : memref<1000x1xf32, #tpu.memory_space<vmem>>, vector<1000x1xf32>
    %max3A = arith.constant 1.000000e+00 : f32
    %max3A_2 = vector.broadcast %max3A : f32 to vector<1000x1xf32>
    %max3A_3 = arith.maximumf %get3A_1, %max3A_2 : vector<1000x1xf32>
    %rsqrt3A = math.rsqrt %max3A_3 : vector<1000x1xf32>
    %sqrt3A = arith.constant 1.000010e+00 : f32
    %sqrt3A_4 = math.sqrt %sqrt3A : f32
    %div3A = arith.constant 1.000000e+00 : f32
    %div3A_5 = arith.divf %div3A, %sqrt3A_4 : f32
    %get3A_6 = arith.constant 0 : index
    %get3A_7 = arith.constant 0 : index
    %get3A_8 = arith.constant 0 : index
    %get3A_9 = vector.load %arg1[%get3A_6, %get3A_7, %get3A_8] : memref<2x1000x128xf32, #tpu.memory_space<vmem>>, vector<1x1000x128xf32>
    %get3A_10 = vector.shape_cast %get3A_9 : vector<1x1000x128xf32> to vector<1000x128xf32>
    %mul3A = vector.broadcast %rsqrt3A : vector<1000x1xf32> to vector<1000x128xf32>
    %mul3A_11 = arith.mulf %get3A_10, %mul3A : vector<1000x128xf32>
    %get3A_12 = arith.constant 0 : index
    %get3A_13 = arith.constant 0 : index
    %get3A_14 = vector.load %arg3[%get3A_12, %get3A_13] : memref<1x256xf32, #tpu.memory_space<vmem>>, vector<1x128xf32>
    %add3A = vector.broadcast %get3A_14 : vector<1x128xf32> to vector<1000x128xf32>
    %add3A_15 = arith.addf %mul3A_11, %add3A : vector<1000x128xf32>
    %get3A_16 = arith.constant 0 : index
    %get3A_17 = arith.constant 0 : index
    %get3A_18 = vector.load %arg4[%get3A_16, %get3A_17] : memref<1x256xf32, #tpu.memory_space<vmem>>, vector<1x128xf32>
    %mul3A_19 = vector.broadcast %div3A_5 : f32 to vector<1x128xf32>
    %mul3A_20 = arith.mulf %get3A_18, %mul3A_19 : vector<1x128xf32>
    %mul3A_21 = vector.broadcast %mul3A_20 : vector<1x128xf32> to vector<1000x128xf32>
    %mul3A_22 = arith.mulf %add3A_15, %mul3A_21 : vector<1000x128xf32>
    %get3A_23 = arith.constant 0 : index
    %get3A_24 = arith.constant 0 : index
    %get3A_25 = vector.load %arg5[%get3A_23, %get3A_24] : memref<1x256xf32, #tpu.memory_space<vmem>>, vector<1x128xf32>
    %add3A_26 = vector.broadcast %get3A_25 : vector<1x128xf32> to vector<1000x128xf32>
    %add3A_27 = arith.addf %mul3A_22, %add3A_26 : vector<1000x128xf32>
    %max3A_28 = arith.constant 0.000000e+00 : f32
    %max3A_29 = vector.broadcast %max3A_28 : f32 to vector<1000x128xf32>
    %max3A_30 = arith.maximumf %add3A_27, %max3A_29 : vector<1000x128xf32>
    %swap3A = arith.constant 0 : index
    %swap3A_31 = arith.constant 0 : index
    %swap3A_32 = vector.load %arg6[%swap3A, %swap3A_31] : memref<1000x256xf32, #tpu.memory_space<vmem>>, vector<1000x128xf32>
    tpu.vector_store %arg6[%swap3A, %swap3A_31], %max3A_30 {strides = array<i32>} : memref<1000x256xf32, #tpu.memory_space<vmem>>, vector<1000x128xf32>,
    %get3A_33 = arith.constant 1 : index
    %get3A_34 = arith.constant 0 : index
    %get3A_35 = arith.constant 0 : index
    %get3A_36 = vector.load %arg1[%get3A_33, %get3A_34, %get3A_35] : memref<2x1000x128xf32, #tpu.memory_space<vmem>>, vector<1x1000x128xf32>
    %get3A_37 = vector.shape_cast %get3A_36 : vector<1x1000x128xf32> to vector<1000x128xf32>
    %mul3A_38 = vector.broadcast %rsqrt3A : vector<1000x1xf32> to vector<1000x128xf32>
    %mul3A_39 = arith.mulf %get3A_37, %mul3A_38 : vector<1000x128xf32>
    %get3A_40 = arith.constant 0 : index
    %get3A_41 = arith.constant 128 : index
    %get3A_42 = vector.load %arg3[%get3A_40, %get3A_41] : memref<1x256xf32, #tpu.memory_space<vmem>>, vector<1x128xf32>
    %add3A_43 = vector.broadcast %get3A_42 : vector<1x128xf32> to vector<1000x128xf32>
    %add3A_44 = arith.addf %mul3A_39, %add3A_43 : vector<1000x128xf32>
    %get3A_45 = arith.constant 0 : index
    %get3A_46 = arith.constant 128 : index
    %get3A_47 = vector.load %arg4[%get3A_45, %get3A_46] : memref<1x256xf32, #tpu.memory_space<vmem>>, vector<1x128xf32>
    %mul3A_48 = vector.broadcast %div3A_5 : f32 to vector<1x128xf32>
    %mul3A_49 = arith.mulf %get3A_47, %mul3A_48 : vector<1x128xf32>
    %mul3A_50 = vector.broadcast %mul3A_49 : vector<1x128xf32> to vector<1000x128xf32>
    %mul3A_51 = arith.mulf %add3A_44, %mul3A_50 : vector<1000x128xf32>
    %get3A_52 = arith.constant 0 : index
    %get3A_53 = arith.constant 128 : index
    %get3A_54 = vector.load %arg5[%get3A_52, %get3A_53] : memref<1x256xf32, #tpu.memory_space<vmem>>, vector<1x128xf32>
    %add3A_55 = vector.broadcast %get3A_54 : vector<1x128xf32> to vector<1000x128xf32>
    %add3A_56 = arith.addf %mul3A_51, %add3A_55 : vector<1000x128xf32>
    %max3A_57 = arith.constant 0.000000e+00 : f32
    %max3A_58 = vector.broadcast %max3A_57 : f32 to vector<1000x128xf32>
    %max3A_59 = arith.maximumf %add3A_56, %max3A_58 : vector<1000x128xf32>
    %swap3A_60 = arith.constant 0 : index
    %swap3A_61 = arith.constant 128 : index
    %swap3A_62 = vector.load %arg6[%swap3A_60, %swap3A_61] : memref<1000x256xf32, #tpu.memory_space<vmem>>, vector<1000x128xf32>
    tpu.vector_store %arg6[%swap3A_60, %swap3A_61], %max3A_59 {strides = array<i32>} : memref<1000x256xf32, #tpu.memory_space<vmem>>, vector<1000x128xf32>,
    return
  }
  func.func @transform_0(%arg0: i32) -> (i32, i32, i32) {
    %c0_i32 = arith.constant 0 : i32
    %c0_i32_0 = arith.constant 0 : i32
    %c0_i32_1 = arith.constant 0 : i32
    return %c0_i32, %arg0, %c0_i32_0 : i32, i32, i32
  }
  func.func @transform_1(%arg0: i32) -> (i32, i32) {
    %c0_i32 = arith.constant 0 : i32
    %c0_i32_0 = arith.constant 0 : i32
    return %arg0, %c0_i32 : i32, i32
  }
  func.func @transform_2(%arg0: i32) -> (i32, i32) {
    %c0_i32 = arith.constant 0 : i32
    %c0_i32_0 = arith.constant 0 : i32
    %c0_i32_1 = arith.constant 0 : i32
    return %c0_i32, %c0_i32_0 : i32, i32
  }
  func.func @transform_3(%arg0: i32) -> (i32, i32) {
    %c0_i32 = arith.constant 0 : i32
    %c0_i32_0 = arith.constant 0 : i32
    %c0_i32_1 = arith.constant 0 : i32
    return %c0_i32, %c0_i32_0 : i32, i32
  }
  func.func @transform_4(%arg0: i32) -> (i32, i32) {
    %c0_i32 = arith.constant 0 : i32
    %c0_i32_0 = arith.constant 0 : i32
    %c0_i32_1 = arith.constant 0 : i32
    return %c0_i32, %c0_i32_0 : i32, i32
  }
  func.func @transform_5(%arg0: i32) -> (i32, i32) {
    %c0_i32 = arith.constant 0 : i32
    %c0_i32_0 = arith.constant 0 : i32
    return %arg0, %c0_i32 : i32, i32
  }
}

</mosaic_0001>

<sc_bundles>
// kernel: kernel.6.cloned.1.call-start
scs
__scs_entry_jumppad:
0x0: {  	(pc) =	sbr.rel $0x88, $3  }
0x1: {  	(tag) =	ssettag $0x0;
	lr =	simm.s32 $0x1  }
0x2: {  	[smem:$0x3F9B] =	sst lr;
	_ =	strace $0xD0000000  }
0x3: {  	_ = 	snop  }
0x4: {  	_ = 	snop  }
0x5: {  	_ = 	snop  }
0x6: {  	_ = 	snop  }
0x7: {  	_ = 	snop  }
__scs_overlays_trampoline_lowered:
0x8: {  	[smem:$0x3FAA] =	sst s0  }
0x9: {  	[smem:$0x3FAB] =	sst s1  }
0xa: {  	[smem:$0x3FAC] =	sst s2  }
0xb: {  	[smem:$0x3FAD] =	sst s3  }
0xc: {  	[smem:$0x3FAE] =	sst s4  }
0xd: {  	[smem:$0x3FAF] =	sst s5  }
0xe: {  	[smem:$0x3FB0] =	sst s6  }
0xf: {  	[smem:$0x3FB1] =	sst s7  }
0x10: {  	[smem:$0x3FB2] =	sst s8  }
0x11: {  	[smem:$0x3FB3] =	sst s9;
	s0 =	simm.s32 @!p0 $0x0  }
0x12: {  	s1 =	sld [smem:$0x3F99];
	s0 =	simm.s32 @p0 $0x1  }
0x13: {  	[smem:$0x3FB4] =	sst s0;
	s0 =	simm.s32 @!p1 $0x0  }
0x14: {  	s2 =	sld [smem:$0x3F98];
	s0 =	simm.s32 @p1 $0x1  }
0x15: {  	[smem:$0x3FB5] =	sst s0;
	s0 =	simm.s32 @!p2 $0x0  }
0x16: {  	s3 =	sld [smem:$0x3FDB];
	s0 =	simm.s32 @p2 $0x1  }
0x17: {  	s4 =	simm.s32 $0x1BF5;
	[smem:$0x3FB7] =	sst s0  }
0x18: {  	s0 =	sld [smem:$0x3F9A];
	_ =	swait.ge [sflag:s4], $0x0  }
0x19: {  	s7 =	sld [smem:$0x3F9B]  }
0x1a: {  	s8 =	sadd.s32 $0xFFFFE003, lr  }
0x1b: {  	s9 =	sadd.s32 $0xFFFFFEF7, lr;
	s5 =	simm.s32 $0xFFFFFFFF;
	p2 =	slt.u32 s8, $0xFFFFF086  }
0x1c: {  	p1 =	slt.u32 s9, $0xF7A;
	s5 =	simm.s32 @!p2 $0x0  }
0x1d: {  	s5 =	simm.s32 @p1 $0x1;
	p0 =	seq.s32 s7, s2  }
0x1e: {  	s7 =	smul.u32 @!p0 $0xF7A, s2;
	p2 =	seq.s32 @!p0 s5, $0x0  }
0x1f: {  	s9 =	smul.u32 $0xF7A, s1;
	s8 =	simm.s32 @!p0 $0x1BF5;
	p2 =	por !p2, p0  }
0x20: {  	[sflag:s8] =	ssyncset.s32 @!p0 $0xFFFFF086;
	s6 =	sadd.s32 @!p0 s3, s7;
	s7 =	simm.s32 @!p0 $0x108  }
0x21: {  	s3 =	sadd.s32 s3, s9;
	s6 =	sadd.s32 @!p0 $0x88, s6;
	s7 =	simm.s32 @p2 $0x1082  }
0x22: {  	[simem:s7], [sflag:s8] =	dma.local @!p0 [hbm:s6], $0xF7A  }
0x23: {  	s9 =	sor.u32 $0xD0000000, s2;
	s6 =	simm.s32 $0x108;
	_ =	swait.ge @!p0 [sflag:s8], $0x0  }
0x24: {  	s3 =	sadd.s32 $0x88, s3;
	s6 =	simm.s32 @!p1 $0x1082;
	[sflag:s4] =	ssyncset.s32 $0xFFFFF086  }
0x25: {  	[simem:s6], [sflag:s4] =	dma.local [hbm:s3], $0xF7A  }
0x26: {  	[smem:$0x3F9B] =	sst s1;
	(tag) =	ssettag s2;
	_ =	strace s9  }
0x27: {  	s1 =	sld [smem:$0x3FAB]  }
0x28: {  	s2 =	sld [smem:$0x3FAC]  }
0x29: {  	s4 =	sld [smem:$0x3FAE]  }
0x2a: {  	p0 =	seq.s32 s5, $0x0;
	s5 =	sld [smem:$0x3FAF]  }
0x2b: {  	s6 =	sld [smem:$0x3FB0]  }
0x2c: {  	s7 =	sld [smem:$0x3FB1]  }
0x2d: {  	s3 =	simm.s32 $0x108;
	s8 =	sld [smem:$0x3FB2]  }
0x2e: {  	s3 =	simm.s32 @!p0 $0x1082;
	s9 =	sld [smem:$0x3FB3]  }
0x2f: {  	lr =	sadd.s32 s0, s3;
	s0 =	sld [smem:$0x3FAA]  }
0x30: {  	s3 =	sld [smem:$0x3FAD]  }
0x31: {  	[smem:$0x3FB6] =	sst s10  }
0x32: {  	s10 =	sld [smem:$0x3FB4];
	_ =	sdelay $0x3  }
0x33: {  	p0 =	seq.s32 s10, $0x1;
	s10 =	sld [smem:$0x3FB6];
	_ =	sdelay $0x3  }
0x34: {  	[smem:$0x3FB6] =	sst s10  }
0x35: {  	s10 =	sld [smem:$0x3FB5];
	_ =	sdelay $0x3  }
0x36: {  	p1 =	seq.s32 s10, $0x1;
	s10 =	sld [smem:$0x3FB6];
	_ =	sdelay $0x3  }
0x37: {  	[smem:$0x3FB6] =	sst s10  }
0x38: {  	s10 =	sld [smem:$0x3FB7]  }
0x39: {  	_ = 	snop;
	(pc) =	sbr.ind lr, $3  }
0x3a: {  	_ = 	snop  }
0x3b: {  	_ = 	snop  }
0x3c: {  	p2 =	seq.s32 s10, $0x1;
	s10 =	sld [smem:$0x3FB6]  }
0x3d: {  	_ =	shalt  }
0x3e: {  	_ =	shalt  }
0x3f: {  	_ =	shalt  }
0x40: {  	_ =	shalt  }
0x41: {  	_ =	shalt  }
0x42: {  	_ =	shalt  }
0x43: {  	_ =	shalt  }
0x44: {  	_ =	shalt  }
0x45: {  	_ =	shalt  }
0x46: {  	_ =	shalt  }
0x47: {  	_ =	shalt  }
0x48: {  	_ =	shalt  }
0x49: {  	_ =	shalt  }
0x4a: {  	_ =	shalt  }
0x4b: {  	_ =	shalt  }
0x4c: {  	_ =	shalt  }
0x4d: {  	_ =	shalt  }
0x4e: {  	_ =	shalt  }
0x4f: {  	_ =	shalt  }
0x50: {  	_ =	shalt  }
0x51: {  	_ =	shalt  }
0x52: {  	_ =	shalt  }
0x53: {  	_ =	shalt  }
0x54: {  	_ =	shalt  }
0x55: {  	_ =	shalt  }
0x56: {  	_ =	shalt  }
0x57: {  	_ =	shalt  }
0x58: {  	_ =	shalt  }
0x59: {  	_ =	shalt  }
0x5a: {  	_ =	shalt  }
0x5b: {  	_ =	shalt  }
0x5c: {  	_ =	shalt  }
0x5d: {  	_ =	shalt  }
0x5e: {  	_ =	shalt  }
0x5f: {  	_ =	shalt  }
0x60: {  	_ =	shalt  }
0x61: {  	_ =	shalt  }
0x62: {  	_ =	shalt  }
0x63: {  	_ =	shalt  }
0x64: {  	_ =	shalt  }
0x65: {  	_ =	shalt  }
0x66: {  	_ =	shalt  }
0x67: {  	_ =	shalt  }
0x68: {  	_ =	shalt  }
0x69: {  	_ =	shalt  }
0x6a: {  	_ =	shalt  }
0x6b: {  	_ =	shalt  }
0x6c: {  	_ =	shalt  }
0x6d: {  	_ =	shalt  }
0x6e: {  	_ =	shalt  }
0x6f: {  	_ =	shalt  }
0x70: {  	_ =	shalt  }
0x71: {  	_ =	shalt  }
0x72: {  	_ =	shalt  }
0x73: {  	_ =	shalt  }
0x74: {  	_ =	shalt  }
0x75: {  	_ =	shalt  }
0x76: {  	_ =	shalt  }
0x77: {  	_ =	shalt  }
0x78: {  	_ =	shalt  }
0x79: {  	_ =	shalt  }
0x7a: {  	_ =	shalt  }
0x7b: {  	_ =	shalt  }
0x7c: {  	_ =	shalt  }
0x7d: {  	_ =	shalt  }
0x7e: {  	_ =	shalt  }
0x7f: {  	_ =	shalt  }
0x80: {  	_ =	shalt  }
0x81: {  	_ =	shalt  }
0x82: {  	_ =	shalt  }
0x83: {  	_ =	shalt  }
0x84: {  	_ =	shalt  }
0x85: {  	_ =	shalt  }
0x86: {  	_ =	shalt  }
0x87: {  	_ =	shalt  }
.Lfunc_end0:
.L_simem_size_0:
called_computation_lowered:
.L_overlay_start_0:
0x88: {  	s2 =	sld [smem:$0x3FD9]  }
0x89: {  	s3 =	sld [smem:$0x3FFE];
	_ =	sdelay $0x1  }
0x8a: {  	s1 =	srdreg.scid  }
0x8b: {  	s0 =	sand.u32 $0x1, s1  }
0x8c: {  	s17 =	sshll.u32 s0, $0xA;
	s2 =	sadd.s32 s3, s2  }
0x8d: {  	s2 =	sadd.s32 s2, s17  }
0x8e: {  	[smem:$0x3FC2] =	sst s2  }
0x8f: {  	_ = 	snop  }
0x90: {  	s2 =	sld [smem:$0x3FD0];
	(tm) =	ssettm $0x1  }
0x91: {  	s18 =	sld [smem:$0x3FFB];
	_ =	sdelay $0x3  }
0x92: {  	_ =	strace s18  }
0x93: {  	s3 =	sld [smem:$0x3FFC];
	_ =	sdelay $0x3  }
0x94: {  	_ =	strace s3  }
0x95: {  	s3 =	sld [smem:$0x3FFD];
	_ =	sdelay $0x3  }
0x96: {  	_ =	strace s3  }
0x97: {  	_ =	strace $0x8FFFFFFF  }
0x98: {  	s19 =	sld [smem:$0x3FDB];
	_ =	sdelay $0x1  }
0x99: {  	s4 =	simm.s32 $_scs_section_size  }
0x9a: {  	s5 =	simm.s32 $_size__tile_overlayer_lowered;
	s6 =	simm.s32 $_tile_overlayer_lowered  }
0x9b: {  	s22 =	simm.s32 $0x1BFF;
	s21 =	sshll.u32 s6, $0x1;
	s3 =	sadd.s32 s4, s19  }
0x9c: {  	s7 =	simm.s32 $0x0;
	s20 =	sshll.u32 s5, $0x1;
	s5 =	sadd.s32 s21, s3  }
0x9d: {  	[timem:s7], [sflag:s22] =	dma.local [hbm:s5], s20  }
0x9e: {  	_ =	swait.ge [sflag:s22], s20  }
0x9f: {  	s4 =	ssub.s32 $0x0, s20;
	[sflag:s22] =	ssyncset.done $0x0  }
0xa0: {  	[sflag:s22] =	ssyncadd.s32 s4;
	_ =	sdelay $0x1  }
0xa1: {  	s23 =	simm.s32 $0x1B8B  }
0xa2: {  	_ =	swait.ge [sflag:s23], $0x1  }
0xa3: {  	[sflag:s23] =	ssyncset.done $0x0  }
0xa4: {  	s25 =	simm.s32 $0x1B8E;
	s24 =	sld [smem:$0x3FFE];
	[sflag:s23] =	ssyncadd.s32 $0xFFFFFFFF  }
0xa5: {  	s26 =	simm.s32 $execute0_lowered;
	[smem:$0x3FD2] =	sst s25  }
0xa6: {  	s5 =	sshll.u32 s26, $0x1;
	_ =	strace $0x80000046;
	[dreg:$0x1] =	wrdreg $0xFFFFFFFF  }
0xa7: {  	s28 =	simm.s32 $_size_execute0_lowered;
	s3 =	sadd.s32 s3, s5;
	[dreg:$0x0] =	wrdreg $0x0  }
0xa8: {  	s5 =	sshll.u32 s28, $0x1;
	[dreg:$0x2] =	wrdreg s3  }
0xa9: {  	[dreg:$0x3] =	wrdreg s5  }
0xaa: {  	[dreg:$0x4] =	wrdreg $0xC0  }
0xab: {  	_ =	task [dreg:s7], $0x5FFFF  }
0xac: {  	[dreg:$0x1] =	wrdreg $0xFFFFFFFF  }
0xad: {  	[dreg:$0x0] =	wrdreg $0x60  }
0xae: {  	[dreg:$0x2] =	wrdreg s2  }
0xaf: {  	[dreg:$0x3] =	wrdreg s24  }
0xb0: {  	[dreg:$0x4] =	wrdreg $0x50000  }
0xb1: {  	[dreg:$0x5] =	wrdreg $0x9  }
0xb2: {  	_ =	task.clear_ibuf [dreg:s7], $0x6FFFF;
	_ =	strace $0x90000046  }
0xb3: {  	s29 =	simm.s32 $0x9;
	_ =	strace $0x80000048  }
0xb4: {  	_ =	swait.ge [sflag:s29], $0x1  }
0xb5: {  	[sflag:s29] =	ssyncadd.s32 $0xFFFFFFFF  }
0xb6: {  	_ =	strace $0x90000048  }
0xb7: {  	_ =	sfence  }
0xb8: {  	s30 =	sld [smem:$0x0];
	_ =	sdelay $0x2  }
0xb9: {  	s31 =	sshll.u32 s1, $0xD;
	s1 =	sshrl.u32 s1, $0x2  }
0xba: {  	s3 =	sand.u32 $0x4000, s31;
	s1 =	sadd.s32 s1, s30  }
0xbb: {  	s0 =	sor.u32 s3, s0;
	s1 =	sshll.u32 s1, $0x11  }
0xbc: {  	s0 =	sor.u32 s1, s0  }
0xbd: {  	s0 =	sadd.s32 $0x8F2B, s0  }
0xbe: {  	[sflag:s0] =	ssyncadd.remote.s32 $0x1  }
0xbf: {  	_ =	sfence.sel $0xFFFF  }
0xc0: {  	[dreg:$0x0] =	wrdreg $0xFFFFFFFF;
	(pc) =	sbr.abs _section_cstart, $3  }
0xc1: {  	[dreg:$0x1] =	wrdreg $0xFFFFFFFF  }
0xc2: {  	_ =	task.clear_ibuf [dreg:s7], $0x2FFFF;
	_ =	strace $0x9FFFFFFF  }
0xc3: {  	(tm) =	ssettm $0x7FFFFFFF  }
tec
execute0_lowered:
.L_overlay_start_1:
0x0: {  	(tag) =	ssettag $0x1  }
0x1: {  	s3 =	rddreg [dreg:$0x0]  }
0x2: {  	s4 =	rddreg [dreg:$0x1];
	s0 =	srdreg.scid  }
0x3: {  	s1 =	rddreg [dreg:$0x2];
	s7 =	stileid.u32;
	s2 =	simm.s32 $0x0  }
0x4: {  	s10 =	simm.s32 $0x2800;
	s11 =	simm.s32 $0x1;
	s12 =	simm.s32 $0x0  }
0x5: {  	s5 =	sand.u32 $0x1, s0;
	s0 =	rddreg [dreg:$0x3];
	s8 =	smul.u32 $0x2800, s7  }
0x6: {  	[smem:$0x7FF] =	sst s2;
	p0 =	sne.s32 s7, $0x0;
	s6 =	smul.u32 $0x28000, s5  }
0x7: {  	s7 =	simm.s32 $0x2;
	s9 =	smul.u32 $0x4E2, s5;
	s5 =	ssub.s32 $0x2, s5  }
0x8: {  	_ =	strace $0x80000047;
	s30 =	sshrl.u32 s5, $0x1;
	s6 =	sadd.s32 s8, s6  }
0x9: {  	s29 =	sadd.s32 s9, s4;
	s31 =	ssub.s32 s5, s30;
	s4 =	sadd.s32 $0x2710, s1  }
0xa: {  	s8 =	simm.s32 $0x2880;
	s9 =	simm.s32 $0x80;
	s6 =	sshrl.u32 s6, $0x3  }
0xb: {  	v0 =	vimm.f32 $1.000000000e+00;
	v1 =	vimm.f32 $0.0e+00;
	s5 =	sadd.s32 $0x1200, s29;
	s3 =	sadd.s32 s3, s6;
	s6 =	smax.u32 s31, $0x1  }
.LBB2_1:
0xc: {  	[tilespmem:s2], [sflag:$0x2] =	stream.linear.gather [hbm4b:s3+s2], $0x2800, $0x38;
	[tilespmem:$0x5278] =	vst v63  }
0xd: {  	_ =	swait.ge [sflag:s7], $0x2800  }
0xe: {  	[sflag:s7] =	ssyncset.done $0x0  }
0xf: {  	[sflag:s7] =	ssyncadd.s32 $0xFFFFD800  }
0x10: {  	[tilespmem:$0x2800] =	vst v0  }
0x11: {  	[tilespmem:$0x2810] =	vst v0  }
0x12: {  	[tilespmem:$0x2820] =	vst v0  }
.Ltmp0:
0x13: {  	[tilespmem:$0x2830] =	vst v0;
	(pc) =	sbr.rel @p0 .LBB2_5-.Ltmp0, $4  }
0x14: {  	[tilespmem:$0x2840] =	vst v0  }
0x15: {  	[tilespmem:$0x2850] =	vst v0  }
0x16: {  	[tilespmem:$0x2860] =	vst v0  }
0x17: {  	[tilespmem:$0x2870] =	vst v0  }
0x18: {  	s13 =	simm.s32 $0x40;
	s14 =	simm.s32 $0x0  }
.LBB2_3:
0x19: {  	p1 =	sne.s32 s13, $0x9C00;
	[tilespmem:s14+$0x2880] =	vst v1;
	s14 =	smov.u32 s13;
	s13 =	sadd.s32 $0x40, s13  }
.Ltmp1:
0x1a: {  	(pc) =	sbr.rel @p1 .LBB2_3-.Ltmp1, $2  }
0x1b: {  	_ =	sdelay $0x2  }
0x1c: {  	s14 =	sshra.s32 s14, $0x2  }
0x1d: {  	[tilespmem:s14+$0x2880] =	vst v1  }
0x1e: {  	[spmem:s1] =	stream.linear.scatter [tilespmem:s8], [sflag:$0x2], $0x2710, $0x38;
	[tilespmem:$0x5278] =	vst v63  }
0x1f: {  	_ =	swait.ge [sflag:s7], $0x2710  }
0x20: {  	[sflag:s7] =	ssyncset.done $0x0  }
0x21: {  	[sflag:s7] =	ssyncadd.s32 $0xFFFFD8F0  }
0x22: {  	[spmem:s4] =	stream.linear.scatter [tilespmem:s8], [sflag:$0x2], $0x10, $0x38;
	[tilespmem:$0x5278] =	vst v63  }
0x23: {  	_ =	swait.ge [sflag:s7], $0x10  }
0x24: {  	[sflag:s7] =	ssyncset.done $0x0  }
0x25: {  	[sflag:s7] =	ssyncadd.s32 $0xFFFFFFF0  }
.LBB2_5:
0x26: {  	[bflag:$0x0] =	sbarrier.arrive $0xFFFF;
	s13 =	simm.s32 $0x0  }
.LBB2_6:
0x27: {  	p1 =	sne.s32 s13, $0x9E00  }
.Ltmp2:
0x28: {  	_ = 	snop;
	(pc) =	sbr.rel @p1 .LBB2_6-.Ltmp2, $3  }
0x29: {  	_ =	sdelay $0x1  }
0x2a: {  	s14 =	sshra.s32 s13, $0x2;
	s13 =	sadd.s32 $0x200, s13  }
0x2b: {  	[spmem:s1] =	stream.indirect.scatter.add.f32 [tilespmem:s10], [sflag:$0x1], $0x1, s14, s9, $0xb8;
	[tilespmem:$0x5278] =	vst v63  }
0x2c: {  	_ =	swait.ge [sflag:s11], $0x80  }
0x2d: {  	s13 =	simm.s32 $0x4F;
	[sflag:s11] =	ssyncset.done $0x0  }
.LBB2_8:
0x2e: {  	p1 =	sne.s32 s13, $0x1;
	s13 =	sadd.s32 $0xFFFFFFFF, s13;
	[sflag:s11] =	ssyncadd.s32 $0xFFFFFF80  }
.Ltmp3:
0x2f: {  	(pc) =	sbr.rel @p1 .LBB2_8-.Ltmp3, $3  }
0x30: {  	_ =	sdelay $0x1  }
0x31: {  	_ =	swait.ge [sflag:s11], $0x80  }
0x32: {  	[sflag:s11] =	ssyncset.done $0x0  }
0x33: {  	[sflag:s11] =	ssyncadd.s32 $0xFFFFFF80  }
0x34: {  	s13 =	simm.s32 @!p0 $0x2880;
	s14 =	simm.s32 @!p0 $0x2;
	[bflag:$0x0] =	sbarrier.arrive $0xFFFF  }
0x35: {  	[tilespmem:s13], [sflag:$0x2] =	stream.linear.gather @!p0 [spmem:s1], $0x2710, $0x38;
	[tilespmem:$0x5278] =	vst v63  }
0x36: {  	s12 =	sadd.s32 $0x1, s12;
	_ =	swait.ge @!p0 [sflag:s14], $0x2710  }
0x37: {  	p1 =	sne.s32 s12, s6;
	[sflag:s14] =	ssyncset.done @!p0 $0x0  }
.Ltmp4:
0x38: {  	s15 =	simm.s32 @!p0 $0x0;
	[sflag:s14] =	ssyncadd.s32 @!p0 $0xFFFFD8F0;
	(pc) =	sbr.rel @p1 .LBB2_1-.Ltmp4, $4  }
0x39: {  	[hbm4b:s5+s15] =	stream.linear.scatter @!p0 [tilespmem:s13], [sflag:$0x2], $0x2710, $0x38;
	[tilespmem:$0x5278] =	vst v63  }
0x3a: {  	_ =	swait.ge @!p0 [sflag:s14], $0x2710  }
0x3b: {  	[sflag:s14] =	ssyncset.done @!p0 $0x0  }
0x3c: {  	[sflag:s14] =	ssyncadd.s32 @!p0 $0xFFFFD8F0  }
0x3d: {  	_ =	sfence.sel $0x180000  }
0x3e: {  	[bflag:$0x0] =	sbarrier.arrive $0xFFFF  }
0x3f: {  	_ =	strace $0x90000047  }
0x40: {  	s0 =	sadd.s32 @!p0 $0x100000, s0;
	[bflag:$0x2] =	sbarrier.arrive $0xFFFF  }
0x41: {  	[sflag:s0] =	ssyncadd.tile.s32 @!p0 $0x1;
	_ =	shalt  }
.Lfunc_end2:
_tile_overlayer_lowered:
.L_overlay_start_2:
0x42: {  	(tag) =	ssettag $0x2  }
0x43: {  	s0 =	rddreg [dreg:$0x0];
	s2 =	stileid.u32  }
0x44: {  	s1 =	rddreg [dreg:$0x1];
	p0 =	sne.s32 s2, $0x0  }
0x45: {  	s3 =	rddreg [dreg:$0x2];
	[bflag:$0x3] =	sbarrier.arrive $0xFFFF;
	s2 =	simm.s32 @!p0 $0x1C02  }
0x46: {  	[timem:s3], [sflag:s2] =	dma.local @!p0 [hbm:s0], s1  }
0x47: {  	s0 =	simm.s32 @!p0 $0x2  }
0x48: {  	_ =	swait.ge @!p0 [sflag:s0], s1  }
0x49: {  	s1 =	ssub.s32 @!p0 $0x0, s1;
	[sflag:s0] =	ssyncset.done @!p0 $0x0  }
0x4a: {  	[sflag:s0] =	ssyncadd.s32 @!p0 s1  }
0x4b: {  	[bflag:$0x3] =	sbarrier.arrive $0xFFFF  }
0x4c: {  	_ =	shalt  }

// kernel: kernel.9.cloned.1.call-start
scs
__scs_entry_jumppad:
0x0: {  	(pc) =	sbr.rel $0x88, $3  }
0x1: {  	(tag) =	ssettag $0x0;
	lr =	simm.s32 $0x1  }
0x2: {  	[smem:$0x3F9B] =	sst lr;
	_ =	strace $0xD0000000  }
0x3: {  	_ = 	snop  }
0x4: {  	_ = 	snop  }
0x5: {  	_ = 	snop  }
0x6: {  	_ = 	snop  }
0x7: {  	_ = 	snop  }
__scs_overlays_trampoline_lowered:
0x8: {  	[smem:$0x3FAA] =	sst s0  }
0x9: {  	[smem:$0x3FAB] =	sst s1  }
0xa: {  	[smem:$0x3FAC] =	sst s2  }
0xb: {  	[smem:$0x3FAD] =	sst s3  }
0xc: {  	[smem:$0x3FAE] =	sst s4  }
0xd: {  	[smem:$0x3FAF] =	sst s5  }
0xe: {  	[smem:$0x3FB0] =	sst s6  }
0xf: {  	[smem:$0x3FB1] =	sst s7  }
0x10: {  	[smem:$0x3FB2] =	sst s8  }
0x11: {  	[smem:$0x3FB3] =	sst s9;
	s0 =	simm.s32 @!p0 $0x0  }
0x12: {  	s1 =	sld [smem:$0x3F99];
	s0 =	simm.s32 @p0 $0x1  }
0x13: {  	[smem:$0x3FB4] =	sst s0;
	s0 =	simm.s32 @!p1 $0x0  }
0x14: {  	s2 =	sld [smem:$0x3F98];
	s0 =	simm.s32 @p1 $0x1  }
0x15: {  	[smem:$0x3FB5] =	sst s0;
	s0 =	simm.s32 @!p2 $0x0  }
0x16: {  	s3 =	sld [smem:$0x3FDB];
	s0 =	simm.s32 @p2 $0x1  }
0x17: {  	s4 =	simm.s32 $0x1BF5;
	[smem:$0x3FB7] =	sst s0  }
0x18: {  	s0 =	sld [smem:$0x3F9A];
	_ =	swait.ge [sflag:s4], $0x0  }
0x19: {  	s7 =	sld [smem:$0x3F9B]  }
0x1a: {  	s8 =	sadd.s32 $0xFFFFE003, lr  }
0x1b: {  	s9 =	sadd.s32 $0xFFFFFEF7, lr;
	s5 =	simm.s32 $0xFFFFFFFF;
	p2 =	slt.u32 s8, $0xFFFFF086  }
0x1c: {  	p1 =	slt.u32 s9, $0xF7A;
	s5 =	simm.s32 @!p2 $0x0  }
0x1d: {  	s5 =	simm.s32 @p1 $0x1;
	p0 =	seq.s32 s7, s2  }
0x1e: {  	s7 =	smul.u32 @!p0 $0xF7A, s2;
	p2 =	seq.s32 @!p0 s5, $0x0  }
0x1f: {  	s9 =	smul.u32 $0xF7A, s1;
	s8 =	simm.s32 @!p0 $0x1BF5;
	p2 =	por !p2, p0  }
0x20: {  	[sflag:s8] =	ssyncset.s32 @!p0 $0xFFFFF086;
	s6 =	sadd.s32 @!p0 s3, s7;
	s7 =	simm.s32 @!p0 $0x108  }
0x21: {  	s3 =	sadd.s32 s3, s9;
	s6 =	sadd.s32 @!p0 $0x88, s6;
	s7 =	simm.s32 @p2 $0x1082  }
0x22: {  	[simem:s7], [sflag:s8] =	dma.local @!p0 [hbm:s6], $0xF7A  }
0x23: {  	s9 =	sor.u32 $0xD0000000, s2;
	s6 =	simm.s32 $0x108;
	_ =	swait.ge @!p0 [sflag:s8], $0x0  }
0x24: {  	s3 =	sadd.s32 $0x88, s3;
	s6 =	simm.s32 @!p1 $0x1082;
	[sflag:s4] =	ssyncset.s32 $0xFFFFF086  }
0x25: {  	[simem:s6], [sflag:s4] =	dma.local [hbm:s3], $0xF7A  }
0x26: {  	[smem:$0x3F9B] =	sst s1;
	(tag) =	ssettag s2;
	_ =	strace s9  }
0x27: {  	s1 =	sld [smem:$0x3FAB]  }
0x28: {  	s2 =	sld [smem:$0x3FAC]  }
0x29: {  	s4 =	sld [smem:$0x3FAE]  }
0x2a: {  	p0 =	seq.s32 s5, $0x0;
	s5 =	sld [smem:$0x3FAF]  }
0x2b: {  	s6 =	sld [smem:$0x3FB0]  }
0x2c: {  	s7 =	sld [smem:$0x3FB1]  }
0x2d: {  	s3 =	simm.s32 $0x108;
	s8 =	sld [smem:$0x3FB2]  }
0x2e: {  	s3 =	simm.s32 @!p0 $0x1082;
	s9 =	sld [smem:$0x3FB3]  }
0x2f: {  	lr =	sadd.s32 s0, s3;
	s0 =	sld [smem:$0x3FAA]  }
0x30: {  	s3 =	sld [smem:$0x3FAD]  }
0x31: {  	[smem:$0x3FB6] =	sst s10  }
0x32: {  	s10 =	sld [smem:$0x3FB4];
	_ =	sdelay $0x3  }
0x33: {  	p0 =	seq.s32 s10, $0x1;
	s10 =	sld [smem:$0x3FB6];
	_ =	sdelay $0x3  }
0x34: {  	[smem:$0x3FB6] =	sst s10  }
0x35: {  	s10 =	sld [smem:$0x3FB5];
	_ =	sdelay $0x3  }
0x36: {  	p1 =	seq.s32 s10, $0x1;
	s10 =	sld [smem:$0x3FB6];
	_ =	sdelay $0x3  }
0x37: {  	[smem:$0x3FB6] =	sst s10  }
0x38: {  	s10 =	sld [smem:$0x3FB7]  }
0x39: {  	_ = 	snop;
	(pc) =	sbr.ind lr, $3  }
0x3a: {  	_ = 	snop  }
0x3b: {  	_ = 	snop  }
0x3c: {  	p2 =	seq.s32 s10, $0x1;
	s10 =	sld [smem:$0x3FB6]  }
0x3d: {  	_ =	shalt  }
0x3e: {  	_ =	shalt  }
0x3f: {  	_ =	shalt  }
0x40: {  	_ =	shalt  }
0x41: {  	_ =	shalt  }
0x42: {  	_ =	shalt  }
0x43: {  	_ =	shalt  }
0x44: {  	_ =	shalt  }
0x45: {  	_ =	shalt  }
0x46: {  	_ =	shalt  }
0x47: {  	_ =	shalt  }
0x48: {  	_ =	shalt  }
0x49: {  	_ =	shalt  }
0x4a: {  	_ =	shalt  }
0x4b: {  	_ =	shalt  }
0x4c: {  	_ =	shalt  }
0x4d: {  	_ =	shalt  }
0x4e: {  	_ =	shalt  }
0x4f: {  	_ =	shalt  }
0x50: {  	_ =	shalt  }
0x51: {  	_ =	shalt  }
0x52: {  	_ =	shalt  }
0x53: {  	_ =	shalt  }
0x54: {  	_ =	shalt  }
0x55: {  	_ =	shalt  }
0x56: {  	_ =	shalt  }
0x57: {  	_ =	shalt  }
0x58: {  	_ =	shalt  }
0x59: {  	_ =	shalt  }
0x5a: {  	_ =	shalt  }
0x5b: {  	_ =	shalt  }
0x5c: {  	_ =	shalt  }
0x5d: {  	_ =	shalt  }
0x5e: {  	_ =	shalt  }
0x5f: {  	_ =	shalt  }
0x60: {  	_ =	shalt  }
0x61: {  	_ =	shalt  }
0x62: {  	_ =	shalt  }
0x63: {  	_ =	shalt  }
0x64: {  	_ =	shalt  }
0x65: {  	_ =	shalt  }
0x66: {  	_ =	shalt  }
0x67: {  	_ =	shalt  }
0x68: {  	_ =	shalt  }
0x69: {  	_ =	shalt  }
0x6a: {  	_ =	shalt  }
0x6b: {  	_ =	shalt  }
0x6c: {  	_ =	shalt  }
0x6d: {  	_ =	shalt  }
0x6e: {  	_ =	shalt  }
0x6f: {  	_ =	shalt  }
0x70: {  	_ =	shalt  }
0x71: {  	_ =	shalt  }
0x72: {  	_ =	shalt  }
0x73: {  	_ =	shalt  }
0x74: {  	_ =	shalt  }
0x75: {  	_ =	shalt  }
0x76: {  	_ =	shalt  }
0x77: {  	_ =	shalt  }
0x78: {  	_ =	shalt  }
0x79: {  	_ =	shalt  }
0x7a: {  	_ =	shalt  }
0x7b: {  	_ =	shalt  }
0x7c: {  	_ =	shalt  }
0x7d: {  	_ =	shalt  }
0x7e: {  	_ =	shalt  }
0x7f: {  	_ =	shalt  }
0x80: {  	_ =	shalt  }
0x81: {  	_ =	shalt  }
0x82: {  	_ =	shalt  }
0x83: {  	_ =	shalt  }
0x84: {  	_ =	shalt  }
0x85: {  	_ =	shalt  }
0x86: {  	_ =	shalt  }
0x87: {  	_ =	shalt  }
.Lfunc_end0:
.L_simem_size_0:
called_computation.1_lowered:
.L_overlay_start_0:
0x88: {  	s2 =	sld [smem:$0x3FD9]  }
0x89: {  	s3 =	sld [smem:$0x3FFE];
	_ =	sdelay $0x1  }
0x8a: {  	s1 =	srdreg.scid  }
0x8b: {  	s0 =	sand.u32 $0x1, s1  }
0x8c: {  	s17 =	sshll.u32 s0, $0xA;
	s2 =	sadd.s32 s3, s2  }
0x8d: {  	s2 =	sadd.s32 s2, s17  }
0x8e: {  	[smem:$0x3FC2] =	sst s2  }
0x8f: {  	_ = 	snop  }
0x90: {  	s2 =	sld [smem:$0x3FD0];
	(tm) =	ssettm $0x1  }
0x91: {  	s18 =	sld [smem:$0x3FFB];
	_ =	sdelay $0x3  }
0x92: {  	_ =	strace s18  }
0x93: {  	s3 =	sld [smem:$0x3FFC];
	_ =	sdelay $0x3  }
0x94: {  	_ =	strace s3  }
0x95: {  	s3 =	sld [smem:$0x3FFD];
	_ =	sdelay $0x3  }
0x96: {  	_ =	strace s3  }
0x97: {  	_ =	strace $0x8FFFFFFF  }
0x98: {  	s19 =	sld [smem:$0x3FDB];
	_ =	sdelay $0x1  }
0x99: {  	s4 =	simm.s32 $_scs_section_size  }
0x9a: {  	s5 =	simm.s32 $_size__tile_overlayer_lowered;
	s6 =	simm.s32 $_tile_overlayer_lowered  }
0x9b: {  	s22 =	simm.s32 $0x1BFF;
	s21 =	sshll.u32 s6, $0x1;
	s3 =	sadd.s32 s4, s19  }
0x9c: {  	s7 =	simm.s32 $0x0;
	s20 =	sshll.u32 s5, $0x1;
	s5 =	sadd.s32 s21, s3  }
0x9d: {  	[timem:s7], [sflag:s22] =	dma.local [hbm:s5], s20  }
0x9e: {  	_ =	swait.ge [sflag:s22], s20  }
0x9f: {  	s4 =	ssub.s32 $0x0, s20;
	[sflag:s22] =	ssyncset.done $0x0  }
0xa0: {  	[sflag:s22] =	ssyncadd.s32 s4;
	_ =	sdelay $0x1  }
0xa1: {  	s23 =	simm.s32 $0x1B8B  }
0xa2: {  	_ =	swait.ge [sflag:s23], $0x1  }
0xa3: {  	[sflag:s23] =	ssyncset.done $0x0  }
0xa4: {  	s25 =	simm.s32 $0x1B8E;
	s24 =	sld [smem:$0x3FFE];
	[sflag:s23] =	ssyncadd.s32 $0xFFFFFFFF  }
0xa5: {  	s26 =	simm.s32 $execute0_lowered;
	[smem:$0x3FD2] =	sst s25  }
0xa6: {  	s5 =	sshll.u32 s26, $0x1;
	_ =	strace $0x80000049;
	[dreg:$0x1] =	wrdreg $0xFFFFFFFF  }
0xa7: {  	s28 =	simm.s32 $_size_execute0_lowered;
	s3 =	sadd.s32 s3, s5;
	[dreg:$0x0] =	wrdreg $0x0  }
0xa8: {  	s5 =	sshll.u32 s28, $0x1;
	[dreg:$0x2] =	wrdreg s3  }
0xa9: {  	[dreg:$0x3] =	wrdreg s5  }
0xaa: {  	[dreg:$0x4] =	wrdreg $0xC0  }
0xab: {  	_ =	task [dreg:s7], $0x5FFFF  }
0xac: {  	[dreg:$0x1] =	wrdreg $0xFFFFFFFF  }
0xad: {  	[dreg:$0x0] =	wrdreg $0x60  }
0xae: {  	[dreg:$0x2] =	wrdreg s24  }
0xaf: {  	[dreg:$0x3] =	wrdreg s2  }
0xb0: {  	[dreg:$0x4] =	wrdreg $0xB8000  }
0xb1: {  	[dreg:$0x5] =	wrdreg $0x9  }
0xb2: {  	_ =	task.clear_ibuf [dreg:s7], $0x6FFFF;
	_ =	strace $0x90000049  }
0xb3: {  	s29 =	simm.s32 $0x9;
	_ =	strace $0x8000004B  }
0xb4: {  	_ =	swait.ge [sflag:s29], $0x1  }
0xb5: {  	[sflag:s29] =	ssyncadd.s32 $0xFFFFFFFF  }
0xb6: {  	_ =	strace $0x9000004B  }
0xb7: {  	_ =	sfence  }
0xb8: {  	s30 =	sld [smem:$0x0];
	_ =	sdelay $0x2  }
0xb9: {  	s31 =	sshll.u32 s1, $0xD;
	s1 =	sshrl.u32 s1, $0x2  }
0xba: {  	s3 =	sand.u32 $0x4000, s31;
	s1 =	sadd.s32 s1, s30  }
0xbb: {  	s0 =	sor.u32 s3, s0;
	s1 =	sshll.u32 s1, $0x11  }
0xbc: {  	s0 =	sor.u32 s1, s0  }
0xbd: {  	s0 =	sadd.s32 $0x8F2B, s0  }
0xbe: {  	[sflag:s0] =	ssyncadd.remote.s32 $0x1  }
0xbf: {  	_ =	sfence.sel $0xFFFF  }
0xc0: {  	[dreg:$0x0] =	wrdreg $0xFFFFFFFF;
	(pc) =	sbr.abs _section_cstart, $3  }
0xc1: {  	[dreg:$0x1] =	wrdreg $0xFFFFFFFF  }
0xc2: {  	_ =	task.clear_ibuf [dreg:s7], $0x2FFFF;
	_ =	strace $0x9FFFFFFF  }
0xc3: {  	(tm) =	ssettm $0x7FFFFFFF  }
tec
execute0_lowered:
.L_overlay_start_1:
0x0: {  	(tag) =	ssettag $0x1  }
0x1: {  	s0 =	rddreg [dreg:$0x0]  }
0x2: {  	s1 =	rddreg [dreg:$0x1]  }
0x3: {  	s3 =	rddreg [dreg:$0x2];
	s2 =	srdreg.scid;
	s4 =	simm.s32 $0x0  }
0x4: {  	s9 =	stileid.u32;
	s10 =	simm.s32 $0x100;
	s11 =	simm.s32 $0x180  }
0x5: {  	s12 =	simm.s32 $0x200;
	s13 =	simm.s32 $0x880;
	s14 =	simm.s32 $0x280  }
0x6: {  	s15 =	simm.s32 $0x900;
	s16 =	simm.s32 $0x300;
	s17 =	simm.s32 $0x980  }
0x7: {  	s18 =	simm.s32 $0x380;
	s19 =	simm.s32 $0xA00;
	s20 =	simm.s32 $0x400  }
0x8: {  	s21 =	simm.s32 $0xA80;
	s23 =	simm.s32 $0x480;
	[smem:$0x7FF] =	sst s4  }
0x9: {  	s28 =	simm.s32 $0xD00;
	_ =	strace $0x8000004A;
	[dreg:$0x7] =	wrdreg s10  }
0xa: {  	s29 =	simm.s32 $0x700;
	s30 =	simm.s32 $0xD80;
	[dreg:$0x8] =	wrdreg s11  }
0xb: {  	s31 =	simm.s32 $0x780;
	s2 =	sand.u32 $0x1, s2;
	[dreg:$0x9] =	wrdreg s12  }
0xc: {  	s6 =	sshll.u32 s9, $0xE;
	s24 =	sshll.u32 s9, $0xB;
	[dreg:$0xa] =	wrdreg s13  }
0xd: {  	s26 =	ssub.s32 $0x281, s9;
	s9 =	ssub.s32 $0x280, s9;
	[dreg:$0xb] =	wrdreg s14  }
0xe: {  	s5 =	sshll.u32 s2, $0x12;
	s7 =	smul.u32 $0x138800, s2;
	[dreg:$0xc] =	wrdreg s15  }
0xf: {  	s2 =	ssub.s32 $0x2, s2;
	s8 =	sadd.s32 s24, s0;
	[dreg:$0xd] =	wrdreg s16  }
0x10: {  	s22 =	sadd.s32 s24, s3;
	s10 =	simm.s32 $0xB000;
	[dreg:$0xe] =	wrdreg s17  }
0x11: {  	s11 =	simm.s32 $0x5;
	s12 =	simm.s32 $0x800;
	[dreg:$0xf] =	wrdreg s18  }
0x12: {  	s13 =	simm.s32 $0x50;
	s14 =	simm.s32 $0x1000;
	[dreg:$0x10] =	wrdreg s19  }
0x13: {  	s15 =	simm.s32 $0x3800;
	s16 =	simm.s32 $0x6000;
	[dreg:$0x11] =	wrdreg s20  }
0x14: {  	s17 =	simm.s32 $0x8800;
	s18 =	simm.s32 $0x1;
	[dreg:$0x12] =	wrdreg s21  }
0x15: {  	s19 =	simm.s32 $0x2;
	[dreg:$0x13] =	wrdreg s23;
	s20 =	simm.s32 $0x3  }
0x16: {  	s5 =	sor.u32 s6, s5;
	s25 =	sshrl.u32 s2, $0x1;
	s6 =	sshrl.u32 s9, $0x4  }
0x17: {  	[dreg:$0x18] =	wrdreg s22;
	s5 =	sshrl.u32 s5, $0x3;
	s7 =	sadd.s32 s24, s7  }
0x18: {  	s2 =	ssub.s32 s2, s25;
	[dreg:$0x19] =	wrdreg s6;
	s24 =	simm.s32 $0xB00  }
0x19: {  	s25 =	simm.s32 $0x500;
	s5 =	sadd.s32 s5, s0;
	[dreg:$0x14] =	wrdreg s24  }
0x1a: {  	s7 =	sshrl.u32 s7, $0x3;
	s2 =	smax.u32 s2, $0x1;
	[dreg:$0x15] =	wrdreg s25  }
0x1b: {  	s0 =	sadd.s32 s7, s0;
	s7 =	sshrl.u32 s26, $0x4;
	[dreg:$0x1a] =	wrdreg s2  }
0x1c: {  	s21 =	simm.s32 $0x4;
	s5 =	sadd.s32 $0x9C00, s5;
	[dreg:$0x17] =	wrdreg s7  }
0x1d: {  	s23 =	simm.s32 $0xC00;
	s26 =	simm.s32 $0xB80;
	[dreg:$0x4] =	wrdreg s5  }
0x1e: {  	s24 =	simm.s32 $0x600;
	s7 =	sadd.s32 $0x1C00, s8;
	[dreg:$0x16] =	wrdreg s26  }
0x1f: {  	s25 =	simm.s32 $0xC80;
	s8 =	simm.s32 $0x80;
	[dreg:$0x5] =	wrdreg s7  }
0x20: {  	s2 =	simm.s32 $0xE80;
	s0 =	sadd.s32 $0x19C00, s0;
	[dreg:$0x6] =	wrdreg s8  }
0x21: {  	s26 =	simm.s32 $0x680;
	s5 =	simm.s32 $0xF80;
	[dreg:$0x1b] =	wrdreg s0  }
0x22: {  	v0 =	vimm.f32 $0.0e+00;
	s0 =	simm.s32 $0xE00;
	s8 =	simm.s32 $0xF00;
	s7 =	simm.s32 $0x0  }
.LBB2_1:
0x23: {  	[dreg:$0x1c] =	wrdreg s7;
	s6 =	simm.s32 $0x0;
	s7 =	simm.s32 $0x200  }
.LBB2_2:
0x24: {  	p0 =	sne.s32 s7, $0x1E00;
	[tilespmem:s6+$0xB070] =	vst v0  }
0x25: {  	[tilespmem:s6+$0xB000] =	vst v0  }
0x26: {  	[tilespmem:s6+$0xB010] =	vst v0  }
.Ltmp0:
0x27: {  	[tilespmem:s6+$0xB020] =	vst v0;
	(pc) =	sbr.rel @p0 .LBB2_2-.Ltmp0, $4  }
0x28: {  	[tilespmem:s6+$0xB030] =	vst v0  }
0x29: {  	[tilespmem:s6+$0xB040] =	vst v0  }
0x2a: {  	[tilespmem:s6+$0xB050] =	vst v0  }
0x2b: {  	[tilespmem:s6+$0xB060] =	vst v0;
	s6 =	sshra.s32 s7, $0x2;
	s7 =	sadd.s32 $0x200, s7  }
0x2c: {  	[tilespmem:s6+$0xB070] =	vst v0  }
0x2d: {  	[tilespmem:s6+$0xB000] =	vst v0  }
0x2e: {  	[tilespmem:s6+$0xB010] =	vst v0  }
0x2f: {  	[tilespmem:s6+$0xB020] =	vst v0  }
0x30: {  	[tilespmem:s6+$0xB030] =	vst v0;
	s9 =	rddreg [dreg:$0x17]  }
0x31: {  	[tilespmem:s6+$0xB040] =	vst v0;
	p0 =	sne.s32 s9, $0x1  }
.Ltmp1:
0x32: {  	[tilespmem:s6+$0xB050] =	vst v0;
	(pc) =	sbr.rel @!p0 .LBB2_5-.Ltmp1, $4  }
0x33: {  	[tilespmem:s6+$0xB060] =	vst v0  }
0x34: {  	[spmem:s22] =	stream.linear.scatter [tilespmem:s10], [sflag:$0x5], $0x800, $0x38;
	[tilespmem:$0x1F100] =	vst v63  }
0x35: {  	_ =	swait.ge [sflag:s11], $0x800  }
0x36: {  	s7 =	smov.u32 s22;
	s6 =	sadd.s32 $0xFFFFFFFF, s9;
	[sflag:s11] =	ssyncset.done $0x0  }
.LBB2_4:
0x37: {  	p0 =	sne.s32 s6, $0x1;
	[sflag:s11] =	ssyncadd.s32 $0xFFFFF800;
	s7 =	sadd.s32 $0x8000, s7  }
.Ltmp2:
0x38: {  	s6 =	sadd.s32 $0xFFFFFFFF, s6;
	(pc) =	sbr.rel @p0 .LBB2_4-.Ltmp2, $4  }
0x39: {  	_ = 	snop  }
0x3a: {  	[spmem:s7] =	stream.linear.scatter [tilespmem:s10], [sflag:$0x5], $0x800, $0x38;
	[tilespmem:$0x1F100] =	vst v63  }
0x3b: {  	_ =	swait.ge [sflag:s11], $0x800  }
0x3c: {  	[sflag:s11] =	ssyncset.done $0x0  }
.LBB2_5:
0x3d: {  	[sflag:s11] =	ssyncadd.s32 $0xFFFFF800  }
0x3e: {  	[bflag:$0x0] =	sbarrier.arrive $0xFFFF  }
0x3f: {  	s6 =	rddreg [dreg:$0x4]  }
0x40: {  	s6 =	sadd.s32 $0x0, s6  }
0x41: {  	[tilespmem:s4], [sflag:$0x5] =	stream.linear.gather [hbm4b:s6+s4], $0x800, $0x38;
	[tilespmem:$0x1F100] =	vst v63  }
0x42: {  	_ =	swait.ge [sflag:s11], $0x800  }
0x43: {  	s7 =	rddreg [dreg:$0x5];
	[sflag:s11] =	ssyncset.done $0x0  }
0x44: {  	[sflag:s11] =	ssyncadd.s32 $0xFFFFF800;
	s6 =	sadd.s32 $0x0, s7  }
0x45: {  	[tilespmem:s12], [sflag:$0x5] =	stream.linear.gather [hbm4b:s6+s4], $0x800, $0x38;
	[tilespmem:$0x1F100] =	vst v63  }
0x46: {  	_ =	swait.ge [sflag:s11], $0x800  }
0x47: {  	[sflag:s11] =	ssyncset.done $0x0  }
0x48: {  	[sflag:s11] =	ssyncadd.s32 $0xFFFFF800  }
0x49: {  	[tilespmem:s14], [sflag:$0x1] =	stream.indirect.gather [hbm4b:s1+s13], $0x80, s4, s13, $0xb8;
	[tilespmem:$0x1F100] =	vst v63  }
0x4a: {  	s9 =	rddreg [dreg:$0x6]  }
0x4b: {  	[tilespmem:s15], [sflag:$0x2] =	stream.indirect.gather [hbm4b:s1+s13], $0x80, s9, s13, $0xb8;
	[tilespmem:$0x1F100] =	vst v63  }
0x4c: {  	s7 =	rddreg [dreg:$0x7]  }
0x4d: {  	[tilespmem:s16], [sflag:$0x3] =	stream.indirect.gather [hbm4b:s1+s13], $0x80, s7, s13, $0xb8;
	[tilespmem:$0x1F100] =	vst v63  }
0x4e: {  	s22 =	rddreg [dreg:$0x8]  }
0x4f: {  	[tilespmem:s17], [sflag:$0x4] =	stream.indirect.gather [hbm4b:s1+s13], $0x80, s22, s13, $0xb8;
	[tilespmem:$0x1F100] =	vst v63  }
0x50: {  	_ =	swait.ge [sflag:s18], $0x2800  }
0x51: {  	[sflag:s18] =	ssyncset.done $0x0  }
0x52: {  	[sflag:s18] =	ssyncadd.s32 $0xFFFFD800  }
0x53: {  	[spmem:s3] =	stream.indirect.scatter.add.f32 [tilespmem:s14], [sflag:$0x5], $0x80, s12, s13, $0xb8;
	[tilespmem:$0x1F100] =	vst v63  }
0x54: {  	_ =	swait.ge [sflag:s11], $0x2800  }
0x55: {  	[sflag:s11] =	ssyncset.done $0x0  }
0x56: {  	s7 =	rddreg [dreg:$0x9];
	[sflag:s11] =	ssyncadd.s32 $0xFFFFD800  }
0x57: {  	[tilespmem:s14], [sflag:$0x1] =	stream.indirect.gather [hbm4b:s1+s13], $0x80, s7, s13, $0xb8;
	[tilespmem:$0x1F100] =	vst v63  }
0x58: {  	_ =	swait.ge [sflag:s19], $0x2800  }
0x59: {  	[sflag:s19] =	ssyncset.done $0x0  }
0x5a: {  	s9 =	rddreg [dreg:$0xa];
	[sflag:s19] =	ssyncadd.s32 $0xFFFFD800  }
0x5b: {  	[spmem:s3] =	stream.indirect.scatter.add.f32 [tilespmem:s15], [sflag:$0x5], $0x80, s9, s13, $0xb8;
	[tilespmem:$0x1F100] =	vst v63  }
0x5c: {  	_ =	swait.ge [sflag:s11], $0x2800  }
0x5d: {  	[sflag:s11] =	ssyncset.done $0x0  }
0x5e: {  	s22 =	rddreg [dreg:$0xb];
	[sflag:s11] =	ssyncadd.s32 $0xFFFFD800  }
0x5f: {  	[tilespmem:s15], [sflag:$0x2] =	stream.indirect.gather [hbm4b:s1+s13], $0x80, s22, s13, $0xb8;
	[tilespmem:$0x1F100] =	vst v63  }
0x60: {  	_ =	swait.ge [sflag:s20], $0x2800  }
0x61: {  	[sflag:s20] =	ssyncset.done $0x0  }
0x62: {  	s7 =	rddreg [dreg:$0xc];
	[sflag:s20] =	ssyncadd.s32 $0xFFFFD800  }
0x63: {  	[spmem:s3] =	stream.indirect.scatter.add.f32 [tilespmem:s16], [sflag:$0x5], $0x80, s7, s13, $0xb8;
	[tilespmem:$0x1F100] =	vst v63  }
0x64: {  	_ =	swait.ge [sflag:s11], $0x2800  }
0x65: {  	[sflag:s11] =	ssyncset.done $0x0  }
0x66: {  	s9 =	rddreg [dreg:$0xd];
	[sflag:s11] =	ssyncadd.s32 $0xFFFFD800  }
0x67: {  	[tilespmem:s16], [sflag:$0x3] =	stream.indirect.gather [hbm4b:s1+s13], $0x80, s9, s13, $0xb8;
	[tilespmem:$0x1F100] =	vst v63  }
0x68: {  	_ =	swait.ge [sflag:s21], $0x2800  }
0x69: {  	[sflag:s21] =	ssyncset.done $0x0  }
0x6a: {  	s22 =	rddreg [dreg:$0xe];
	[sflag:s21] =	ssyncadd.s32 $0xFFFFD800  }
0x6b: {  	[spmem:s3] =	stream.indirect.scatter.add.f32 [tilespmem:s17], [sflag:$0x5], $0x80, s22, s13, $0xb8;
	[tilespmem:$0x1F100] =	vst v63  }
0x6c: {  	_ =	swait.ge [sflag:s11], $0x2800  }
0x6d: {  	[sflag:s11] =	ssyncset.done $0x0  }
0x6e: {  	s7 =	rddreg [dreg:$0xf];
	[sflag:s11] =	ssyncadd.s32 $0xFFFFD800  }
0x6f: {  	[tilespmem:s17], [sflag:$0x4] =	stream.indirect.gather [hbm4b:s1+s13], $0x80, s7, s13, $0xb8;
	[tilespmem:$0x1F100] =	vst v63  }
0x70: {  	_ =	swait.ge [sflag:s18], $0x2800  }
0x71: {  	[sflag:s18] =	ssyncset.done $0x0  }
0x72: {  	s9 =	rddreg [dreg:$0x10];
	[sflag:s18] =	ssyncadd.s32 $0xFFFFD800  }
0x73: {  	[spmem:s3] =	stream.indirect.scatter.add.f32 [tilespmem:s14], [sflag:$0x5], $0x80, s9, s13, $0xb8;
	[tilespmem:$0x1F100] =	vst v63  }
0x74: {  	_ =	swait.ge [sflag:s11], $0x2800  }
0x75: {  	[sflag:s11] =	ssyncset.done $0x0  }
0x76: {  	s22 =	rddreg [dreg:$0x11];
	[sflag:s11] =	ssyncadd.s32 $0xFFFFD800  }
0x77: {  	[tilespmem:s14], [sflag:$0x1] =	stream.indirect.gather [hbm4b:s1+s13], $0x80, s22, s13, $0xb8;
	[tilespmem:$0x1F100] =	vst v63  }
0x78: {  	_ =	swait.ge [sflag:s19], $0x2800  }
0x79: {  	[sflag:s19] =	ssyncset.done $0x0  }
0x7a: {  	s7 =	rddreg [dreg:$0x12];
	[sflag:s19] =	ssyncadd.s32 $0xFFFFD800  }
0x7b: {  	[spmem:s3] =	stream.indirect.scatter.add.f32 [tilespmem:s15], [sflag:$0x5], $0x80, s7, s13, $0xb8;
	[tilespmem:$0x1F100] =	vst v63  }
0x7c: {  	_ =	swait.ge [sflag:s11], $0x2800  }
0x7d: {  	[sflag:s11] =	ssyncset.done $0x0  }
0x7e: {  	s9 =	rddreg [dreg:$0x13];
	[sflag:s11] =	ssyncadd.s32 $0xFFFFD800  }
0x7f: {  	[tilespmem:s15], [sflag:$0x2] =	stream.indirect.gather [hbm4b:s1+s13], $0x80, s9, s13, $0xb8;
	[tilespmem:$0x1F100] =	vst v63  }
0x80: {  	_ =	swait.ge [sflag:s20], $0x2800  }
0x81: {  	[sflag:s20] =	ssyncset.done $0x0  }
0x82: {  	s22 =	rddreg [dreg:$0x14];
	[sflag:s20] =	ssyncadd.s32 $0xFFFFD800  }
0x83: {  	[spmem:s3] =	stream.indirect.scatter.add.f32 [tilespmem:s16], [sflag:$0x5], $0x80, s22, s13, $0xb8;
	[tilespmem:$0x1F100] =	vst v63  }
0x84: {  	_ =	swait.ge [sflag:s11], $0x2800  }
0x85: {  	[sflag:s11] =	ssyncset.done $0x0  }
0x86: {  	s7 =	rddreg [dreg:$0x15];
	[sflag:s11] =	ssyncadd.s32 $0xFFFFD800  }
0x87: {  	[tilespmem:s16], [sflag:$0x3] =	stream.indirect.gather [hbm4b:s1+s13], $0x80, s7, s13, $0xb8;
	[tilespmem:$0x1F100] =	vst v63  }
0x88: {  	_ =	swait.ge [sflag:s21], $0x2800  }
0x89: {  	[sflag:s21] =	ssyncset.done $0x0  }
0x8a: {  	s9 =	rddreg [dreg:$0x16];
	[sflag:s21] =	ssyncadd.s32 $0xFFFFD800  }
0x8b: {  	[spmem:s3] =	stream.indirect.scatter.add.f32 [tilespmem:s17], [sflag:$0x5], $0x80, s9, s13, $0xb8;
	[tilespmem:$0x1F100] =	vst v63  }
0x8c: {  	_ =	swait.ge [sflag:s11], $0x2800  }
0x8d: {  	[sflag:s11] =	ssyncset.done $0x0  }
0x8e: {  	s22 =	simm.s32 $0x580;
	[sflag:s11] =	ssyncadd.s32 $0xFFFFD800  }
0x8f: {  	[tilespmem:s17], [sflag:$0x4] =	stream.indirect.gather [hbm4b:s1+s13], $0x80, s22, s13, $0xb8;
	[tilespmem:$0x1F100] =	vst v63  }
0x90: {  	_ =	swait.ge [sflag:s18], $0x2800  }
0x91: {  	[sflag:s18] =	ssyncset.done $0x0  }
0x92: {  	[sflag:s18] =	ssyncadd.s32 $0xFFFFD800  }
0x93: {  	[spmem:s3] =	stream.indirect.scatter.add.f32 [tilespmem:s14], [sflag:$0x5], $0x80, s23, s13, $0xb8;
	[tilespmem:$0x1F100] =	vst v63  }
0x94: {  	_ =	swait.ge [sflag:s11], $0x2800  }
0x95: {  	[sflag:s11] =	ssyncset.done $0x0  }
0x96: {  	[sflag:s11] =	ssyncadd.s32 $0xFFFFD800  }
0x97: {  	[tilespmem:s14], [sflag:$0x1] =	stream.indirect.gather [hbm4b:s1+s13], $0x80, s24, s13, $0xb8;
	[tilespmem:$0x1F100] =	vst v63  }
0x98: {  	_ =	swait.ge [sflag:s19], $0x2800  }
0x99: {  	[sflag:s19] =	ssyncset.done $0x0  }
0x9a: {  	[sflag:s19] =	ssyncadd.s32 $0xFFFFD800  }
0x9b: {  	[spmem:s3] =	stream.indirect.scatter.add.f32 [tilespmem:s15], [sflag:$0x5], $0x80, s25, s13, $0xb8;
	[tilespmem:$0x1F100] =	vst v63  }
0x9c: {  	_ =	swait.ge [sflag:s11], $0x2800  }
0x9d: {  	[sflag:s11] =	ssyncset.done $0x0  }
0x9e: {  	[sflag:s11] =	ssyncadd.s32 $0xFFFFD800  }
0x9f: {  	[tilespmem:s15], [sflag:$0x2] =	stream.indirect.gather [hbm4b:s1+s13], $0x80, s26, s13, $0xb8;
	[tilespmem:$0x1F100] =	vst v63  }
0xa0: {  	_ =	swait.ge [sflag:s20], $0x2800  }
0xa1: {  	[sflag:s20] =	ssyncset.done $0x0  }
0xa2: {  	[sflag:s20] =	ssyncadd.s32 $0xFFFFD800  }
0xa3: {  	[spmem:s3] =	stream.indirect.scatter.add.f32 [tilespmem:s16], [sflag:$0x5], $0x80, s28, s13, $0xb8;
	[tilespmem:$0x1F100] =	vst v63  }
0xa4: {  	_ =	swait.ge [sflag:s11], $0x2800  }
0xa5: {  	[sflag:s11] =	ssyncset.done $0x0  }
0xa6: {  	[sflag:s11] =	ssyncadd.s32 $0xFFFFD800  }
0xa7: {  	[tilespmem:s16], [sflag:$0x3] =	stream.indirect.gather [hbm4b:s1+s13], $0x80, s29, s13, $0xb8;
	[tilespmem:$0x1F100] =	vst v63  }
0xa8: {  	_ =	swait.ge [sflag:s21], $0x2800  }
0xa9: {  	[sflag:s21] =	ssyncset.done $0x0  }
0xaa: {  	[sflag:s21] =	ssyncadd.s32 $0xFFFFD800  }
0xab: {  	[spmem:s3] =	stream.indirect.scatter.add.f32 [tilespmem:s17], [sflag:$0x5], $0x80, s30, s13, $0xb8;
	[tilespmem:$0x1F100] =	vst v63  }
0xac: {  	_ =	swait.ge [sflag:s11], $0x2800  }
0xad: {  	[sflag:s11] =	ssyncset.done $0x0  }
0xae: {  	[sflag:s11] =	ssyncadd.s32 $0xFFFFD800  }
0xaf: {  	[tilespmem:s17], [sflag:$0x4] =	stream.indirect.gather [hbm4b:s1+s13], $0x80, s31, s13, $0xb8;
	[tilespmem:$0x1F100] =	vst v63  }
0xb0: {  	_ =	swait.ge [sflag:s18], $0x2800  }
0xb1: {  	[sflag:s18] =	ssyncset.done $0x0  }
0xb2: {  	[sflag:s18] =	ssyncadd.s32 $0xFFFFD800  }
0xb3: {  	[spmem:s3] =	stream.indirect.scatter.add.f32 [tilespmem:s14], [sflag:$0x5], $0x80, s0, s13, $0xb8;
	[tilespmem:$0x1F100] =	vst v63  }
0xb4: {  	_ =	swait.ge [sflag:s11], $0x2800  }
0xb5: {  	[sflag:s11] =	ssyncset.done $0x0  }
0xb6: {  	[sflag:s11] =	ssyncadd.s32 $0xFFFFD800  }
0xb7: {  	_ =	swait.ge [sflag:s19], $0x2800  }
0xb8: {  	[sflag:s19] =	ssyncset.done $0x0  }
0xb9: {  	[sflag:s19] =	ssyncadd.s32 $0xFFFFD800  }
0xba: {  	[spmem:s3] =	stream.indirect.scatter.add.f32 [tilespmem:s15], [sflag:$0x5], $0x80, s2, s13, $0xb8;
	[tilespmem:$0x1F100] =	vst v63  }
0xbb: {  	_ =	swait.ge [sflag:s11], $0x2800  }
0xbc: {  	[sflag:s11] =	ssyncset.done $0x0  }
0xbd: {  	[sflag:s11] =	ssyncadd.s32 $0xFFFFD800  }
0xbe: {  	_ =	swait.ge [sflag:s20], $0x2800  }
0xbf: {  	[sflag:s20] =	ssyncset.done $0x0  }
0xc0: {  	[sflag:s20] =	ssyncadd.s32 $0xFFFFD800  }
0xc1: {  	[spmem:s3] =	stream.indirect.scatter.add.f32 [tilespmem:s16], [sflag:$0x5], $0x80, s8, s13, $0xb8;
	[tilespmem:$0x1F100] =	vst v63  }
0xc2: {  	_ =	swait.ge [sflag:s11], $0x2800  }
0xc3: {  	[sflag:s11] =	ssyncset.done $0x0  }
0xc4: {  	[sflag:s11] =	ssyncadd.s32 $0xFFFFD800  }
0xc5: {  	_ =	swait.ge [sflag:s21], $0x2800  }
0xc6: {  	[sflag:s21] =	ssyncset.done $0x0  }
0xc7: {  	[sflag:s21] =	ssyncadd.s32 $0xFFFFD800  }
0xc8: {  	[spmem:s3] =	stream.indirect.scatter.add.f32 [tilespmem:s17], [sflag:$0x5], $0x80, s5, s13, $0xb8;
	[tilespmem:$0x1F100] =	vst v63  }
0xc9: {  	s6 =	simm.s32 $0x200;
	_ =	swait.ge [sflag:s11], $0x2800  }
0xca: {  	s9 =	simm.s32 $0x100;
	s7 =	rddreg [dreg:$0x4];
	[sflag:s11] =	ssyncset.done $0x0  }
.LBB2_6:
0xcb: {  	[sflag:s11] =	ssyncadd.s32 $0xFFFFD800;
	s7 =	sadd.s32 s9, s7  }
0xcc: {  	[tilespmem:s4], [sflag:$0x5] =	stream.linear.gather [hbm4b:s7+s4], $0x800, $0x38;
	[tilespmem:$0x1F100] =	vst v63  }
0xcd: {  	_ =	swait.ge [sflag:s11], $0x800  }
0xce: {  	s7 =	rddreg [dreg:$0x5];
	[sflag:s11] =	ssyncset.done $0x0  }
0xcf: {  	[sflag:s11] =	ssyncadd.s32 $0xFFFFF800;
	s7 =	sadd.s32 s9, s7  }
0xd0: {  	[tilespmem:s12], [sflag:$0x5] =	stream.linear.gather [hbm4b:s7+s4], $0x800, $0x38;
	[tilespmem:$0x1F100] =	vst v63  }
0xd1: {  	_ =	swait.ge [sflag:s11], $0x800  }
0xd2: {  	[sflag:s11] =	ssyncset.done $0x0  }
0xd3: {  	[sflag:s11] =	ssyncadd.s32 $0xFFFFF800  }
0xd4: {  	[tilespmem:s14], [sflag:$0x1] =	stream.indirect.gather [hbm4b:s1+s13], $0x80, s4, s13, $0xb8;
	[tilespmem:$0x1F100] =	vst v63  }
0xd5: {  	s22 =	smov.u32 s6;
	s7 =	rddreg [dreg:$0x6]  }
0xd6: {  	[tilespmem:s15], [sflag:$0x2] =	stream.indirect.gather [hbm4b:s1+s13], $0x80, s7, s13, $0xb8;
	[tilespmem:$0x1F100] =	vst v63  }
0xd7: {  	s9 =	smov.u32 s22;
	s22 =	rddreg [dreg:$0x7]  }
0xd8: {  	[tilespmem:s16], [sflag:$0x3] =	stream.indirect.gather [hbm4b:s1+s13], $0x80, s22, s13, $0xb8;
	[tilespmem:$0x1F100] =	vst v63  }
0xd9: {  	s7 =	rddreg [dreg:$0x8]  }
0xda: {  	[tilespmem:s17], [sflag:$0x4] =	stream.indirect.gather [hbm4b:s1+s13], $0x80, s7, s13, $0xb8;
	[tilespmem:$0x1F100] =	vst v63  }
0xdb: {  	_ =	swait.ge [sflag:s18], $0x2800  }
0xdc: {  	[sflag:s18] =	ssyncset.done $0x0  }
0xdd: {  	[sflag:s18] =	ssyncadd.s32 $0xFFFFD800  }
0xde: {  	[spmem:s3] =	stream.indirect.scatter.add.f32 [tilespmem:s14], [sflag:$0x5], $0x80, s12, s13, $0xb8;
	[tilespmem:$0x1F100] =	vst v63  }
0xdf: {  	_ =	swait.ge [sflag:s11], $0x2800  }
0xe0: {  	[sflag:s11] =	ssyncset.done $0x0  }
0xe1: {  	s7 =	rddreg [dreg:$0x9];
	[sflag:s11] =	ssyncadd.s32 $0xFFFFD800  }
0xe2: {  	[tilespmem:s14], [sflag:$0x1] =	stream.indirect.gather [hbm4b:s1+s13], $0x80, s7, s13, $0xb8;
	[tilespmem:$0x1F100] =	vst v63  }
0xe3: {  	_ =	swait.ge [sflag:s19], $0x2800  }
0xe4: {  	[sflag:s19] =	ssyncset.done $0x0  }
0xe5: {  	s7 =	rddreg [dreg:$0xa];
	[sflag:s19] =	ssyncadd.s32 $0xFFFFD800  }
0xe6: {  	[spmem:s3] =	stream.indirect.scatter.add.f32 [tilespmem:s15], [sflag:$0x5], $0x80, s7, s13, $0xb8;
	[tilespmem:$0x1F100] =	vst v63  }
0xe7: {  	_ =	swait.ge [sflag:s11], $0x2800  }
0xe8: {  	[sflag:s11] =	ssyncset.done $0x0  }
0xe9: {  	s7 =	rddreg [dreg:$0xb];
	[sflag:s11] =	ssyncadd.s32 $0xFFFFD800  }
0xea: {  	[tilespmem:s15], [sflag:$0x2] =	stream.indirect.gather [hbm4b:s1+s13], $0x80, s7, s13, $0xb8;
	[tilespmem:$0x1F100] =	vst v63  }
0xeb: {  	_ =	swait.ge [sflag:s20], $0x2800  }
0xec: {  	[sflag:s20] =	ssyncset.done $0x0  }
0xed: {  	s7 =	rddreg [dreg:$0xc];
	[sflag:s20] =	ssyncadd.s32 $0xFFFFD800  }
0xee: {  	[spmem:s3] =	stream.indirect.scatter.add.f32 [tilespmem:s16], [sflag:$0x5], $0x80, s7, s13, $0xb8;
	[tilespmem:$0x1F100] =	vst v63  }
0xef: {  	_ =	swait.ge [sflag:s11], $0x2800  }
0xf0: {  	[sflag:s11] =	ssyncset.done $0x0  }
0xf1: {  	s7 =	rddreg [dreg:$0xd];
	[sflag:s11] =	ssyncadd.s32 $0xFFFFD800  }
0xf2: {  	[tilespmem:s16], [sflag:$0x3] =	stream.indirect.gather [hbm4b:s1+s13], $0x80, s7, s13, $0xb8;
	[tilespmem:$0x1F100] =	vst v63  }
0xf3: {  	_ =	swait.ge [sflag:s21], $0x2800  }
0xf4: {  	[sflag:s21] =	ssyncset.done $0x0  }
0xf5: {  	s7 =	rddreg [dreg:$0xe];
	[sflag:s21] =	ssyncadd.s32 $0xFFFFD800  }
0xf6: {  	[spmem:s3] =	stream.indirect.scatter.add.f32 [tilespmem:s17], [sflag:$0x5], $0x80, s7, s13, $0xb8;
	[tilespmem:$0x1F100] =	vst v63  }
0xf7: {  	_ =	swait.ge [sflag:s11], $0x2800  }
0xf8: {  	[sflag:s11] =	ssyncset.done $0x0  }
0xf9: {  	s7 =	rddreg [dreg:$0xf];
	[sflag:s11] =	ssyncadd.s32 $0xFFFFD800  }
0xfa: {  	[tilespmem:s17], [sflag:$0x4] =	stream.indirect.gather [hbm4b:s1+s13], $0x80, s7, s13, $0xb8;
	[tilespmem:$0x1F100] =	vst v63  }
0xfb: {  	_ =	swait.ge [sflag:s18], $0x2800  }
0xfc: {  	[sflag:s18] =	ssyncset.done $0x0  }
0xfd: {  	s7 =	rddreg [dreg:$0x10];
	[sflag:s18] =	ssyncadd.s32 $0xFFFFD800  }
0xfe: {  	[spmem:s3] =	stream.indirect.scatter.add.f32 [tilespmem:s14], [sflag:$0x5], $0x80, s7, s13, $0xb8;
	[tilespmem:$0x1F100] =	vst v63  }
0xff: {  	_ =	swait.ge [sflag:s11], $0x2800  }
0x100: {  	[sflag:s11] =	ssyncset.done $0x0  }
0x101: {  	s7 =	rddreg [dreg:$0x11];
	[sflag:s11] =	ssyncadd.s32 $0xFFFFD800  }
0x102: {  	[tilespmem:s14], [sflag:$0x1] =	stream.indirect.gather [hbm4b:s1+s13], $0x80, s7, s13, $0xb8;
	[tilespmem:$0x1F100] =	vst v63  }
0x103: {  	_ =	swait.ge [sflag:s19], $0x2800  }
0x104: {  	[sflag:s19] =	ssyncset.done $0x0  }
0x105: {  	s7 =	rddreg [dreg:$0x12];
	[sflag:s19] =	ssyncadd.s32 $0xFFFFD800  }
0x106: {  	[spmem:s3] =	stream.indirect.scatter.add.f32 [tilespmem:s15], [sflag:$0x5], $0x80, s7, s13, $0xb8;
	[tilespmem:$0x1F100] =	vst v63  }
0x107: {  	_ =	swait.ge [sflag:s11], $0x2800  }
0x108: {  	[sflag:s11] =	ssyncset.done $0x0  }
0x109: {  	s7 =	rddreg [dreg:$0x13];
	[sflag:s11] =	ssyncadd.s32 $0xFFFFD800  }
0x10a: {  	[tilespmem:s15], [sflag:$0x2] =	stream.indirect.gather [hbm4b:s1+s13], $0x80, s7, s13, $0xb8;
	[tilespmem:$0x1F100] =	vst v63  }
0x10b: {  	_ =	swait.ge [sflag:s20], $0x2800  }
0x10c: {  	[sflag:s20] =	ssyncset.done $0x0  }
0x10d: {  	s7 =	rddreg [dreg:$0x14];
	[sflag:s20] =	ssyncadd.s32 $0xFFFFD800  }
0x10e: {  	[spmem:s3] =	stream.indirect.scatter.add.f32 [tilespmem:s16], [sflag:$0x5], $0x80, s7, s13, $0xb8;
	[tilespmem:$0x1F100] =	vst v63  }
0x10f: {  	_ =	swait.ge [sflag:s11], $0x2800  }
0x110: {  	[sflag:s11] =	ssyncset.done $0x0  }
0x111: {  	s7 =	rddreg [dreg:$0x15];
	[sflag:s11] =	ssyncadd.s32 $0xFFFFD800  }
0x112: {  	[tilespmem:s16], [sflag:$0x3] =	stream.indirect.gather [hbm4b:s1+s13], $0x80, s7, s13, $0xb8;
	[tilespmem:$0x1F100] =	vst v63  }
0x113: {  	_ =	swait.ge [sflag:s21], $0x2800  }
0x114: {  	[sflag:s21] =	ssyncset.done $0x0  }
0x115: {  	s7 =	rddreg [dreg:$0x16];
	[sflag:s21] =	ssyncadd.s32 $0xFFFFD800  }
0x116: {  	[spmem:s3] =	stream.indirect.scatter.add.f32 [tilespmem:s17], [sflag:$0x5], $0x80, s7, s13, $0xb8;
	[tilespmem:$0x1F100] =	vst v63  }
0x117: {  	_ =	swait.ge [sflag:s11], $0x2800  }
0x118: {  	[sflag:s11] =	ssyncset.done $0x0  }
0x119: {  	s22 =	simm.s32 $0x580;
	[sflag:s11] =	ssyncadd.s32 $0xFFFFD800  }
0x11a: {  	[tilespmem:s17], [sflag:$0x4] =	stream.indirect.gather [hbm4b:s1+s13], $0x80, s22, s13, $0xb8;
	[tilespmem:$0x1F100] =	vst v63  }
0x11b: {  	_ =	swait.ge [sflag:s18], $0x2800  }
0x11c: {  	[sflag:s18] =	ssyncset.done $0x0  }
0x11d: {  	[sflag:s18] =	ssyncadd.s32 $0xFFFFD800  }
0x11e: {  	[spmem:s3] =	stream.indirect.scatter.add.f32 [tilespmem:s14], [sflag:$0x5], $0x80, s23, s13, $0xb8;
	[tilespmem:$0x1F100] =	vst v63  }
0x11f: {  	_ =	swait.ge [sflag:s11], $0x2800  }
0x120: {  	[sflag:s11] =	ssyncset.done $0x0  }
0x121: {  	[sflag:s11] =	ssyncadd.s32 $0xFFFFD800  }
0x122: {  	[tilespmem:s14], [sflag:$0x1] =	stream.indirect.gather [hbm4b:s1+s13], $0x80, s24, s13, $0xb8;
	[tilespmem:$0x1F100] =	vst v63  }
0x123: {  	_ =	swait.ge [sflag:s19], $0x2800  }
0x124: {  	[sflag:s19] =	ssyncset.done $0x0  }
0x125: {  	[sflag:s19] =	ssyncadd.s32 $0xFFFFD800  }
0x126: {  	[spmem:s3] =	stream.indirect.scatter.add.f32 [tilespmem:s15], [sflag:$0x5], $0x80, s25, s13, $0xb8;
	[tilespmem:$0x1F100] =	vst v63  }
0x127: {  	_ =	swait.ge [sflag:s11], $0x2800  }
0x128: {  	[sflag:s11] =	ssyncset.done $0x0  }
0x129: {  	[sflag:s11] =	ssyncadd.s32 $0xFFFFD800  }
0x12a: {  	[tilespmem:s15], [sflag:$0x2] =	stream.indirect.gather [hbm4b:s1+s13], $0x80, s26, s13, $0xb8;
	[tilespmem:$0x1F100] =	vst v63  }
0x12b: {  	_ =	swait.ge [sflag:s20], $0x2800  }
0x12c: {  	[sflag:s20] =	ssyncset.done $0x0  }
0x12d: {  	[sflag:s20] =	ssyncadd.s32 $0xFFFFD800  }
0x12e: {  	[spmem:s3] =	stream.indirect.scatter.add.f32 [tilespmem:s16], [sflag:$0x5], $0x80, s28, s13, $0xb8;
	[tilespmem:$0x1F100] =	vst v63  }
0x12f: {  	_ =	swait.ge [sflag:s11], $0x2800  }
0x130: {  	[sflag:s11] =	ssyncset.done $0x0  }
0x131: {  	[sflag:s11] =	ssyncadd.s32 $0xFFFFD800  }
0x132: {  	[tilespmem:s16], [sflag:$0x3] =	stream.indirect.gather [hbm4b:s1+s13], $0x80, s29, s13, $0xb8;
	[tilespmem:$0x1F100] =	vst v63  }
0x133: {  	_ =	swait.ge [sflag:s21], $0x2800  }
0x134: {  	[sflag:s21] =	ssyncset.done $0x0  }
0x135: {  	[sflag:s21] =	ssyncadd.s32 $0xFFFFD800  }
0x136: {  	[spmem:s3] =	stream.indirect.scatter.add.f32 [tilespmem:s17], [sflag:$0x5], $0x80, s30, s13, $0xb8;
	[tilespmem:$0x1F100] =	vst v63  }
0x137: {  	_ =	swait.ge [sflag:s11], $0x2800  }
0x138: {  	[sflag:s11] =	ssyncset.done $0x0  }
0x139: {  	[sflag:s11] =	ssyncadd.s32 $0xFFFFD800  }
0x13a: {  	[tilespmem:s17], [sflag:$0x4] =	stream.indirect.gather [hbm4b:s1+s13], $0x80, s31, s13, $0xb8;
	[tilespmem:$0x1F100] =	vst v63  }
0x13b: {  	_ =	swait.ge [sflag:s18], $0x2800  }
0x13c: {  	[sflag:s18] =	ssyncset.done $0x0  }
0x13d: {  	[sflag:s18] =	ssyncadd.s32 $0xFFFFD800  }
0x13e: {  	[spmem:s3] =	stream.indirect.scatter.add.f32 [tilespmem:s14], [sflag:$0x5], $0x80, s0, s13, $0xb8;
	[tilespmem:$0x1F100] =	vst v63  }
0x13f: {  	_ =	swait.ge [sflag:s11], $0x2800  }
0x140: {  	[sflag:s11] =	ssyncset.done $0x0  }
0x141: {  	[sflag:s11] =	ssyncadd.s32 $0xFFFFD800  }
0x142: {  	_ =	swait.ge [sflag:s19], $0x2800  }
0x143: {  	[sflag:s19] =	ssyncset.done $0x0  }
0x144: {  	[sflag:s19] =	ssyncadd.s32 $0xFFFFD800  }
0x145: {  	[spmem:s3] =	stream.indirect.scatter.add.f32 [tilespmem:s15], [sflag:$0x5], $0x80, s2, s13, $0xb8;
	[tilespmem:$0x1F100] =	vst v63  }
0x146: {  	_ =	swait.ge [sflag:s11], $0x2800  }
0x147: {  	[sflag:s11] =	ssyncset.done $0x0  }
0x148: {  	[sflag:s11] =	ssyncadd.s32 $0xFFFFD800  }
0x149: {  	_ =	swait.ge [sflag:s20], $0x2800  }
0x14a: {  	[sflag:s20] =	ssyncset.done $0x0  }
0x14b: {  	[sflag:s20] =	ssyncadd.s32 $0xFFFFD800  }
0x14c: {  	[spmem:s3] =	stream.indirect.scatter.add.f32 [tilespmem:s16], [sflag:$0x5], $0x80, s8, s13, $0xb8;
	[tilespmem:$0x1F100] =	vst v63  }
0x14d: {  	_ =	swait.ge [sflag:s11], $0x2800  }
0x14e: {  	[sflag:s11] =	ssyncset.done $0x0  }
0x14f: {  	[sflag:s11] =	ssyncadd.s32 $0xFFFFD800  }
0x150: {  	p0 =	sne.s32 s6, $0x700;
	_ =	swait.ge [sflag:s21], $0x2800  }
.Ltmp3:
0x151: {  	[sflag:s21] =	ssyncset.done $0x0;
	(pc) =	sbr.rel @p0 .LBB2_6-.Ltmp3, $4  }
0x152: {  	[sflag:s21] =	ssyncadd.s32 $0xFFFFD800  }
0x153: {  	[spmem:s3] =	stream.indirect.scatter.add.f32 [tilespmem:s17], [sflag:$0x5], $0x80, s5, s13, $0xb8;
	[tilespmem:$0x1F100] =	vst v63  }
0x154: {  	_ =	swait.ge [sflag:s11], $0x2800  }
0x155: {  	s6 =	sadd.s32 $0x100, s6;
	s7 =	rddreg [dreg:$0x4];
	[sflag:s11] =	ssyncset.done $0x0  }
0x156: {  	[sflag:s11] =	ssyncadd.s32 $0xFFFFD800;
	s6 =	sadd.s32 s9, s7  }
0x157: {  	[tilespmem:s4], [sflag:$0x5] =	stream.linear.gather [hbm4b:s6+s4], $0x800, $0x38;
	[tilespmem:$0x1F100] =	vst v63  }
0x158: {  	_ =	swait.ge [sflag:s11], $0x800  }
0x159: {  	s7 =	rddreg [dreg:$0x5];
	[sflag:s11] =	ssyncset.done $0x0  }
0x15a: {  	[sflag:s11] =	ssyncadd.s32 $0xFFFFF800;
	s6 =	sadd.s32 s9, s7  }
0x15b: {  	[tilespmem:s12], [sflag:$0x5] =	stream.linear.gather [hbm4b:s6+s4], $0x800, $0x38;
	[tilespmem:$0x1F100] =	vst v63  }
0x15c: {  	_ =	swait.ge [sflag:s11], $0x800  }
0x15d: {  	[sflag:s11] =	ssyncset.done $0x0  }
0x15e: {  	[sflag:s11] =	ssyncadd.s32 $0xFFFFF800  }
0x15f: {  	[tilespmem:s14], [sflag:$0x1] =	stream.indirect.gather [hbm4b:s1+s13], $0x80, s4, s13, $0xb8;
	[tilespmem:$0x1F100] =	vst v63  }
0x160: {  	s9 =	rddreg [dreg:$0x6]  }
0x161: {  	[tilespmem:s15], [sflag:$0x2] =	stream.indirect.gather [hbm4b:s1+s13], $0x80, s9, s13, $0xb8;
	[tilespmem:$0x1F100] =	vst v63  }
0x162: {  	s7 =	rddreg [dreg:$0x7]  }
0x163: {  	[tilespmem:s16], [sflag:$0x3] =	stream.indirect.gather [hbm4b:s1+s13], $0x80, s7, s13, $0xb8;
	[tilespmem:$0x1F100] =	vst v63  }
0x164: {  	s9 =	rddreg [dreg:$0x8]  }
0x165: {  	[tilespmem:s17], [sflag:$0x4] =	stream.indirect.gather [hbm4b:s1+s13], $0x80, s9, s13, $0xb8;
	[tilespmem:$0x1F100] =	vst v63  }
0x166: {  	_ =	swait.ge [sflag:s18], $0x2800  }
0x167: {  	[sflag:s18] =	ssyncset.done $0x0  }
0x168: {  	[sflag:s18] =	ssyncadd.s32 $0xFFFFD800  }
0x169: {  	[spmem:s3] =	stream.indirect.scatter.add.f32 [tilespmem:s14], [sflag:$0x5], $0x80, s12, s13, $0xb8;
	[tilespmem:$0x1F100] =	vst v63  }
0x16a: {  	_ =	swait.ge [sflag:s11], $0x2800  }
0x16b: {  	[sflag:s11] =	ssyncset.done $0x0  }
0x16c: {  	s7 =	rddreg [dreg:$0x9];
	[sflag:s11] =	ssyncadd.s32 $0xFFFFD800  }
0x16d: {  	[tilespmem:s14], [sflag:$0x1] =	stream.indirect.gather [hbm4b:s1+s13], $0x80, s7, s13, $0xb8;
	[tilespmem:$0x1F100] =	vst v63  }
0x16e: {  	_ =	swait.ge [sflag:s19], $0x2800  }
0x16f: {  	[sflag:s19] =	ssyncset.done $0x0  }
0x170: {  	s9 =	rddreg [dreg:$0xa];
	[sflag:s19] =	ssyncadd.s32 $0xFFFFD800  }
0x171: {  	[spmem:s3] =	stream.indirect.scatter.add.f32 [tilespmem:s15], [sflag:$0x5], $0x80, s9, s13, $0xb8;
	[tilespmem:$0x1F100] =	vst v63  }
0x172: {  	_ =	swait.ge [sflag:s11], $0x2800  }
0x173: {  	[sflag:s11] =	ssyncset.done $0x0  }
0x174: {  	s7 =	rddreg [dreg:$0xb];
	[sflag:s11] =	ssyncadd.s32 $0xFFFFD800  }
0x175: {  	[tilespmem:s15], [sflag:$0x2] =	stream.indirect.gather [hbm4b:s1+s13], $0x80, s7, s13, $0xb8;
	[tilespmem:$0x1F100] =	vst v63  }
0x176: {  	_ =	swait.ge [sflag:s20], $0x2800  }
0x177: {  	[sflag:s20] =	ssyncset.done $0x0  }
0x178: {  	s9 =	rddreg [dreg:$0xc];
	[sflag:s20] =	ssyncadd.s32 $0xFFFFD800  }
0x179: {  	[spmem:s3] =	stream.indirect.scatter.add.f32 [tilespmem:s16], [sflag:$0x5], $0x80, s9, s13, $0xb8;
	[tilespmem:$0x1F100] =	vst v63  }
0x17a: {  	_ =	swait.ge [sflag:s11], $0x2800  }
0x17b: {  	[sflag:s11] =	ssyncset.done $0x0  }
0x17c: {  	s7 =	rddreg [dreg:$0xd];
	[sflag:s11] =	ssyncadd.s32 $0xFFFFD800  }
0x17d: {  	[tilespmem:s16], [sflag:$0x3] =	stream.indirect.gather [hbm4b:s1+s13], $0x80, s7, s13, $0xb8;
	[tilespmem:$0x1F100] =	vst v63  }
0x17e: {  	_ =	swait.ge [sflag:s21], $0x2800  }
0x17f: {  	[sflag:s21] =	ssyncset.done $0x0  }
0x180: {  	s9 =	rddreg [dreg:$0xe];
	[sflag:s21] =	ssyncadd.s32 $0xFFFFD800  }
0x181: {  	[spmem:s3] =	stream.indirect.scatter.add.f32 [tilespmem:s17], [sflag:$0x5], $0x80, s9, s13, $0xb8;
	[tilespmem:$0x1F100] =	vst v63  }
0x182: {  	_ =	swait.ge [sflag:s11], $0x2800  }
0x183: {  	[sflag:s11] =	ssyncset.done $0x0  }
0x184: {  	s7 =	rddreg [dreg:$0xf];
	[sflag:s11] =	ssyncadd.s32 $0xFFFFD800  }
0x185: {  	[tilespmem:s17], [sflag:$0x4] =	stream.indirect.gather [hbm4b:s1+s13], $0x80, s7, s13, $0xb8;
	[tilespmem:$0x1F100] =	vst v63  }
0x186: {  	_ =	swait.ge [sflag:s18], $0x2800  }
0x187: {  	[sflag:s18] =	ssyncset.done $0x0  }
0x188: {  	s9 =	rddreg [dreg:$0x10];
	[sflag:s18] =	ssyncadd.s32 $0xFFFFD800  }
0x189: {  	[spmem:s3] =	stream.indirect.scatter.add.f32 [tilespmem:s14], [sflag:$0x5], $0x80, s9, s13, $0xb8;
	[tilespmem:$0x1F100] =	vst v63  }
0x18a: {  	_ =	swait.ge [sflag:s11], $0x2800  }
0x18b: {  	[sflag:s11] =	ssyncset.done $0x0  }
0x18c: {  	s7 =	rddreg [dreg:$0x11];
	[sflag:s11] =	ssyncadd.s32 $0xFFFFD800  }
0x18d: {  	[tilespmem:s14], [sflag:$0x1] =	stream.indirect.gather [hbm4b:s1+s13], $0x80, s7, s13, $0xb8;
	[tilespmem:$0x1F100] =	vst v63  }
0x18e: {  	_ =	swait.ge [sflag:s19], $0x2800  }
0x18f: {  	[sflag:s19] =	ssyncset.done $0x0  }
0x190: {  	s9 =	rddreg [dreg:$0x12];
	[sflag:s19] =	ssyncadd.s32 $0xFFFFD800  }
0x191: {  	[spmem:s3] =	stream.indirect.scatter.add.f32 [tilespmem:s15], [sflag:$0x5], $0x80, s9, s13, $0xb8;
	[tilespmem:$0x1F100] =	vst v63  }
0x192: {  	_ =	swait.ge [sflag:s11], $0x2800  }
0x193: {  	[sflag:s11] =	ssyncset.done $0x0  }
0x194: {  	s7 =	rddreg [dreg:$0x13];
	[sflag:s11] =	ssyncadd.s32 $0xFFFFD800  }
0x195: {  	[tilespmem:s15], [sflag:$0x2] =	stream.indirect.gather [hbm4b:s1+s13], $0x80, s7, s13, $0xb8;
	[tilespmem:$0x1F100] =	vst v63  }
0x196: {  	_ =	swait.ge [sflag:s20], $0x2800  }
0x197: {  	[sflag:s20] =	ssyncset.done $0x0  }
0x198: {  	s9 =	rddreg [dreg:$0x14];
	[sflag:s20] =	ssyncadd.s32 $0xFFFFD800  }
0x199: {  	[spmem:s3] =	stream.indirect.scatter.add.f32 [tilespmem:s16], [sflag:$0x5], $0x80, s9, s13, $0xb8;
	[tilespmem:$0x1F100] =	vst v63  }
0x19a: {  	_ =	swait.ge [sflag:s11], $0x2800  }
0x19b: {  	[sflag:s11] =	ssyncset.done $0x0  }
0x19c: {  	s7 =	rddreg [dreg:$0x15];
	[sflag:s11] =	ssyncadd.s32 $0xFFFFD800  }
0x19d: {  	[tilespmem:s16], [sflag:$0x3] =	stream.indirect.gather [hbm4b:s1+s13], $0x80, s7, s13, $0xb8;
	[tilespmem:$0x1F100] =	vst v63  }
0x19e: {  	_ =	swait.ge [sflag:s21], $0x2800  }
0x19f: {  	[sflag:s21] =	ssyncset.done $0x0  }
0x1a0: {  	s9 =	rddreg [dreg:$0x16];
	[sflag:s21] =	ssyncadd.s32 $0xFFFFD800  }
0x1a1: {  	[spmem:s3] =	stream.indirect.scatter.add.f32 [tilespmem:s17], [sflag:$0x5], $0x80, s9, s13, $0xb8;
	[tilespmem:$0x1F100] =	vst v63  }
0x1a2: {  	_ =	swait.ge [sflag:s11], $0x2800  }
0x1a3: {  	[sflag:s11] =	ssyncset.done $0x0  }
0x1a4: {  	[sflag:s11] =	ssyncadd.s32 $0xFFFFD800  }
0x1a5: {  	[tilespmem:s17], [sflag:$0x4] =	stream.indirect.gather [hbm4b:s1+s13], $0x80, s22, s13, $0xb8;
	[tilespmem:$0x1F100] =	vst v63  }
0x1a6: {  	_ =	swait.ge [sflag:s18], $0x2800  }
0x1a7: {  	[sflag:s18] =	ssyncset.done $0x0  }
0x1a8: {  	[sflag:s18] =	ssyncadd.s32 $0xFFFFD800  }
0x1a9: {  	[spmem:s3] =	stream.indirect.scatter.add.f32 [tilespmem:s14], [sflag:$0x5], $0x80, s23, s13, $0xb8;
	[tilespmem:$0x1F100] =	vst v63  }
0x1aa: {  	_ =	swait.ge [sflag:s11], $0x2800  }
0x1ab: {  	[sflag:s11] =	ssyncset.done $0x0  }
0x1ac: {  	[sflag:s11] =	ssyncadd.s32 $0xFFFFD800  }
0x1ad: {  	[tilespmem:s14], [sflag:$0x1] =	stream.indirect.gather [hbm4b:s1+s13], $0x80, s24, s13, $0xb8;
	[tilespmem:$0x1F100] =	vst v63  }
0x1ae: {  	_ =	swait.ge [sflag:s19], $0x2800  }
0x1af: {  	[sflag:s19] =	ssyncset.done $0x0  }
0x1b0: {  	[sflag:s19] =	ssyncadd.s32 $0xFFFFD800  }
0x1b1: {  	[spmem:s3] =	stream.indirect.scatter.add.f32 [tilespmem:s15], [sflag:$0x5], $0x80, s25, s13, $0xb8;
	[tilespmem:$0x1F100] =	vst v63  }
0x1b2: {  	_ =	swait.ge [sflag:s11], $0x2800  }
0x1b3: {  	[sflag:s11] =	ssyncset.done $0x0  }
0x1b4: {  	[sflag:s11] =	ssyncadd.s32 $0xFFFFD800  }
0x1b5: {  	[tilespmem:s15], [sflag:$0x2] =	stream.indirect.gather [hbm4b:s1+s13], $0x80, s26, s13, $0xb8;
	[tilespmem:$0x1F100] =	vst v63  }
0x1b6: {  	_ =	swait.ge [sflag:s20], $0x2800  }
0x1b7: {  	[sflag:s20] =	ssyncset.done $0x0  }
0x1b8: {  	[sflag:s20] =	ssyncadd.s32 $0xFFFFD800  }
0x1b9: {  	[spmem:s3] =	stream.indirect.scatter.add.f32 [tilespmem:s16], [sflag:$0x5], $0x80, s28, s13, $0xb8;
	[tilespmem:$0x1F100] =	vst v63  }
0x1ba: {  	_ =	swait.ge [sflag:s11], $0x2800  }
0x1bb: {  	[sflag:s11] =	ssyncset.done $0x0  }
0x1bc: {  	[sflag:s11] =	ssyncadd.s32 $0xFFFFD800  }
0x1bd: {  	[tilespmem:s16], [sflag:$0x3] =	stream.indirect.gather [hbm4b:s1+s13], $0x80, s29, s13, $0xb8;
	[tilespmem:$0x1F100] =	vst v63  }
0x1be: {  	_ =	swait.ge [sflag:s21], $0x2800  }
0x1bf: {  	[sflag:s21] =	ssyncset.done $0x0  }
0x1c0: {  	[sflag:s21] =	ssyncadd.s32 $0xFFFFD800  }
0x1c1: {  	[spmem:s3] =	stream.indirect.scatter.add.f32 [tilespmem:s17], [sflag:$0x5], $0x80, s30, s13, $0xb8;
	[tilespmem:$0x1F100] =	vst v63  }
0x1c2: {  	_ =	swait.ge [sflag:s11], $0x2800  }
0x1c3: {  	[sflag:s11] =	ssyncset.done $0x0  }
0x1c4: {  	[sflag:s11] =	ssyncadd.s32 $0xFFFFD800  }
0x1c5: {  	[tilespmem:s17], [sflag:$0x4] =	stream.indirect.gather [hbm4b:s1+s13], $0x80, s31, s13, $0xb8;
	[tilespmem:$0x1F100] =	vst v63  }
0x1c6: {  	_ =	swait.ge [sflag:s18], $0x2800  }
0x1c7: {  	[sflag:s18] =	ssyncset.done $0x0  }
0x1c8: {  	[sflag:s18] =	ssyncadd.s32 $0xFFFFD800  }
0x1c9: {  	[spmem:s3] =	stream.indirect.scatter.add.f32 [tilespmem:s14], [sflag:$0x5], $0x80, s0, s13, $0xb8;
	[tilespmem:$0x1F100] =	vst v63  }
0x1ca: {  	_ =	swait.ge [sflag:s11], $0x2800  }
0x1cb: {  	[sflag:s11] =	ssyncset.done $0x0  }
0x1cc: {  	[sflag:s11] =	ssyncadd.s32 $0xFFFFD800  }
0x1cd: {  	_ =	swait.ge [sflag:s19], $0x2800  }
0x1ce: {  	[sflag:s19] =	ssyncset.done $0x0  }
0x1cf: {  	[sflag:s19] =	ssyncadd.s32 $0xFFFFD800  }
0x1d0: {  	[spmem:s3] =	stream.indirect.scatter.add.f32 [tilespmem:s15], [sflag:$0x5], $0x80, s2, s13, $0xb8;
	[tilespmem:$0x1F100] =	vst v63  }
0x1d1: {  	_ =	swait.ge [sflag:s11], $0x2800  }
0x1d2: {  	[sflag:s11] =	ssyncset.done $0x0  }
0x1d3: {  	[sflag:s11] =	ssyncadd.s32 $0xFFFFD800  }
0x1d4: {  	_ =	swait.ge [sflag:s20], $0x2800  }
0x1d5: {  	[sflag:s20] =	ssyncset.done $0x0  }
0x1d6: {  	[sflag:s20] =	ssyncadd.s32 $0xFFFFD800  }
0x1d7: {  	[spmem:s3] =	stream.indirect.scatter.add.f32 [tilespmem:s16], [sflag:$0x5], $0x80, s8, s13, $0xb8;
	[tilespmem:$0x1F100] =	vst v63  }
0x1d8: {  	_ =	swait.ge [sflag:s11], $0x2800  }
0x1d9: {  	[sflag:s11] =	ssyncset.done $0x0  }
0x1da: {  	[sflag:s11] =	ssyncadd.s32 $0xFFFFD800  }
0x1db: {  	_ =	swait.ge [sflag:s21], $0x2800  }
0x1dc: {  	[sflag:s21] =	ssyncset.done $0x0  }
0x1dd: {  	[sflag:s21] =	ssyncadd.s32 $0xFFFFD800  }
0x1de: {  	[spmem:s3] =	stream.indirect.scatter.add.f32 [tilespmem:s17], [sflag:$0x5], $0x80, s5, s13, $0xb8;
	[tilespmem:$0x1F100] =	vst v63  }
0x1df: {  	_ =	swait.ge [sflag:s11], $0x2800  }
0x1e0: {  	[sflag:s11] =	ssyncset.done $0x0  }
0x1e1: {  	[sflag:s11] =	ssyncadd.s32 $0xFFFFD800  }
0x1e2: {  	[bflag:$0x0] =	sbarrier.arrive $0xFFFF  }
0x1e3: {  	s22 =	rddreg [dreg:$0x18]  }
0x1e4: {  	[tilespmem:s10], [sflag:$0x5] =	stream.linear.gather [spmem:s22], $0x800, $0x38;
	[tilespmem:$0x1F100] =	vst v63  }
0x1e5: {  	_ =	swait.ge [sflag:s11], $0x800  }
0x1e6: {  	s7 =	rddreg [dreg:$0x19]  }
0x1e7: {  	p0 =	sne.s32 s7, $0x1  }
.Ltmp4:
0x1e8: {  	[sflag:s11] =	ssyncset.done $0x0;
	(pc) =	sbr.rel @!p0 .LBB2_9-.Ltmp4, $4  }
0x1e9: {  	s9 =	rddreg [dreg:$0x1b];
	[sflag:s11] =	ssyncadd.s32 $0xFFFFF800  }
0x1ea: {  	[hbm4b:s9+s4] =	stream.linear.scatter [tilespmem:s10], [sflag:$0x5], $0x800, $0x38;
	[tilespmem:$0x1F100] =	vst v63  }
0x1eb: {  	_ =	swait.ge [sflag:s11], $0x800  }
0x1ec: {  	s6 =	sadd.s32 $0xFFFFFFFF, s7;
	s7 =	smov.u32 s22;
	[sflag:s11] =	ssyncset.done $0x0  }
.LBB2_8:
0x1ed: {  	[sflag:s11] =	ssyncadd.s32 $0xFFFFF800;
	s9 =	sadd.s32 $0x1000, s9;
	s7 =	sadd.s32 $0x8000, s7  }
0x1ee: {  	[tilespmem:s10], [sflag:$0x5] =	stream.linear.gather [spmem:s7], $0x800, $0x38;
	[tilespmem:$0x1F100] =	vst v63  }
0x1ef: {  	p0 =	sne.s32 s6, $0x1;
	s6 =	sadd.s32 $0xFFFFFFFF, s6;
	_ =	swait.ge [sflag:s11], $0x800  }
.Ltmp5:
0x1f0: {  	[sflag:s11] =	ssyncset.done $0x0;
	(pc) =	sbr.rel @p0 .LBB2_8-.Ltmp5, $4  }
0x1f1: {  	[sflag:s11] =	ssyncadd.s32 $0xFFFFF800  }
0x1f2: {  	[hbm4b:s9+s4] =	stream.linear.scatter [tilespmem:s10], [sflag:$0x5], $0x800, $0x38;
	[tilespmem:$0x1F100] =	vst v63  }
0x1f3: {  	_ =	swait.ge [sflag:s11], $0x800  }
0x1f4: {  	[sflag:s11] =	ssyncset.done $0x0  }
.LBB2_9:
0x1f5: {  	s7 =	rddreg [dreg:$0x1c]  }
0x1f6: {  	s6 =	rddreg [dreg:$0x1a];
	s7 =	sadd.s32 $0x1, s7  }
0x1f7: {  	p0 =	sne.s32 s7, s6  }
.Ltmp6:
0x1f8: {  	_ = 	snop;
	(pc) =	sbr.rel @p0 .LBB2_1-.Ltmp6, $2  }
0x1f9: {  	_ =	sdelay $0x2  }
0x1fa: {  	[sflag:s11] =	ssyncadd.s32 $0xFFFFF800  }
0x1fb: {  	_ =	sfence.sel $0x180000  }
0x1fc: {  	[bflag:$0x0] =	sbarrier.arrive $0xFFFF  }
0x1fd: {  	_ =	strace $0x9000004A  }
0x1fe: {  	s0 =	stileid.u32;
	[bflag:$0x2] =	sbarrier.arrive $0xFFFF  }
0x1ff: {  	p0 =	sne.s32 s0, $0x0;
	s0 =	rddreg [dreg:$0x3]  }
0x200: {  	s0 =	sadd.s32 @!p0 $0x100000, s0  }
0x201: {  	[sflag:s0] =	ssyncadd.tile.s32 @!p0 $0x1;
	_ =	shalt  }
.Lfunc_end2:
_tile_overlayer_lowered:
.L_overlay_start_2:
0x202: {  	(tag) =	ssettag $0x2  }
0x203: {  	s0 =	rddreg [dreg:$0x0];
	s2 =	stileid.u32  }
0x204: {  	s1 =	rddreg [dreg:$0x1];
	p0 =	sne.s32 s2, $0x0  }
0x205: {  	s3 =	rddreg [dreg:$0x2];
	[bflag:$0x3] =	sbarrier.arrive $0xFFFF;
	s2 =	simm.s32 @!p0 $0x1C05  }
0x206: {  	[timem:s3], [sflag:s2] =	dma.local @!p0 [hbm:s0], s1  }
0x207: {  	s0 =	simm.s32 @!p0 $0x5  }
0x208: {  	_ =	swait.ge @!p0 [sflag:s0], s1  }
0x209: {  	s1 =	ssub.s32 @!p0 $0x0, s1;
	[sflag:s0] =	ssyncset.done @!p0 $0x0  }
0x20a: {  	[sflag:s0] =	ssyncadd.s32 @!p0 s1  }
0x20b: {  	[bflag:$0x3] =	sbarrier.arrive $0xFFFF  }
0x20c: {  	_ =	shalt  }

</sc_bundles>
